<compile_context>
chip_gen: v7x
topology: tpu7x:2x2x1
jax: 0.10.2.dev20260603
libtpu: 0.0.44.dev20260713+nightly
codegen_flags: <defaults>
</compile_context>

<pallas_src>
import functools

import jax
import jax.numpy as jnp
from jax import lax
from jax.experimental import pallas as pl
from jax.experimental.pallas import tpu as pltpu, tpu_sc as plsc

NUM_CORES = 2
NUM_SUBCORES = 16
NW = NUM_CORES * NUM_SUBCORES
LANES = 16
CHUNK = 128
BLK = 32768


def _tc_body(dim, wb_ref, wrows_ref, ut_ref, it_ref, pu_ref, pi_ref):
    dn = (((1,), (0,)), ((), ()))
    ru = jax.lax.dot_general(wrows_ref[0:1, :], ut_ref[...], dn,
                             preferred_element_type=jnp.float32)
    ri = jax.lax.dot_general(wrows_ref[1:2, :], it_ref[...], dn,
                             preferred_element_type=jnp.float32)
    pu_ref[:] = ru.reshape(ru.shape[1]) + wb_ref[2 * dim]
    pi_ref[:] = ri.reshape(ri.shape[1])


def _make_tc_call(n_rows, dim):
    grid = (pl.cdiv(n_rows, BLK),)
    return pl.pallas_call(
        functools.partial(_tc_body, dim),
        grid=grid,
        in_specs=[
            pl.BlockSpec(memory_space=pltpu.SMEM),
            pl.BlockSpec((2, dim), lambda g: (0, 0)),
            pl.BlockSpec((dim, BLK), lambda g: (0, g)),
            pl.BlockSpec((dim, BLK), lambda g: (0, g)),
        ],
        out_specs=[
            pl.BlockSpec((BLK,), lambda g: (g,)),
            pl.BlockSpec((BLK,), lambda g: (g,)),
        ],
        out_shape=[
            jax.ShapeDtypeStruct((n_rows,), jnp.float32),
            jax.ShapeDtypeStruct((n_rows,), jnp.float32),
        ],
    )


def _sc_body(bpw, user_ids, item_ids, pu, pi, out,
             uidx, iidx, gu, gi, sem):
    wid = lax.axis_index("s") * NUM_CORES + lax.axis_index("c")
    base = wid * bpw

    pltpu.sync_copy(user_ids.at[pl.ds(base, bpw)], uidx)
    pltpu.sync_copy(item_ids.at[pl.ds(base, bpw)], iidx)

    copies = []
    for c in range(bpw // CHUNK):
        sl = pl.ds(c * CHUNK, CHUNK)
        copies.append(pltpu.async_copy(pu.at[uidx.at[sl]], gu.at[sl], sem))
        copies.append(pltpu.async_copy(pi.at[iidx.at[sl]], gi.at[sl], sem))
    for cp in copies:
        cp.wait()

    for g in range(bpw // LANES):
        sl = pl.ds(g * LANES, LANES)
        s = gu[sl] + gi[sl]
        gu[sl] = 1.0 / (1.0 + jnp.exp(-s))

    pltpu.sync_copy(gu, out.at[pl.ds(base, bpw)])


def _make_sc_call(batch):
    bpw = batch // NW
    return pl.kernel(
        functools.partial(_sc_body, bpw),
        out_type=jax.ShapeDtypeStruct((batch,), jnp.float32),
        mesh=plsc.VectorSubcoreMesh(
            core_axis_name="c", subcore_axis_name="s",
            num_cores=NUM_CORES, num_subcores=NUM_SUBCORES),
        compiler_params=pltpu.CompilerParams(
            needs_layout_passes=False, use_tc_tiling_on_sc=False),
        scratch_types=[
            pltpu.VMEM((bpw,), jnp.int32),
            pltpu.VMEM((bpw,), jnp.int32),
            pltpu.VMEM((bpw,), jnp.float32),
            pltpu.VMEM((bpw,), jnp.float32),
            pltpu.SemaphoreType.DMA,
        ],
    )


@jax.jit
def kernel(user_ids, item_ids, user_table, item_table, W, b):
    batch = user_ids.shape[0]
    n_rows, dim = user_table.shape
    wb = jnp.concatenate(
        [W.reshape(-1), jnp.full((LANES,), b[0], jnp.float32)])
    wrows = W.reshape(2, dim)
    pu, pi = _make_tc_call(n_rows, dim)(
        wb, wrows, user_table.T, item_table.T)
    out = _make_sc_call(batch)(
        user_ids.astype(jnp.int32), item_ids.astype(jnp.int32), pu, pi)
    return out.reshape(batch, 1)

# --- scband reference (transcript-rebuilt; emitter-appended) ---
"""Pipeline reference for scband-implicit-feedback-model-49589692399795 (READ-ONLY COPY).

The authoritative reference and input builder live on the scoring server;
editing this copy changes nothing except your own understanding.
"""

import jax, jax.numpy as jnp
import numpy as np

NUM_USERS = 1000000
NUM_ITEMS = 1000000
EMBED_DIM = 32
BATCH = 16384

def setup_inputs(seed: int = 0) -> dict:
    key = jax.random.key(seed)
    k1, k2, k3, k4, k5, k6 = jax.random.split(key, 6)
    user_ids = jax.random.randint(k1, (BATCH,), 0, NUM_USERS, dtype=jnp.int64 if jax.config.jax_enable_x64 else jnp.int32)
    item_ids = jax.random.randint(k2, (BATCH,), 0, NUM_ITEMS, dtype=jnp.int64 if jax.config.jax_enable_x64 else jnp.int32)
    user_table = jax.random.normal(k3, (NUM_USERS, EMBED_DIM), dtype=jnp.float32)
    item_table = jax.random.normal(k4, (NUM_ITEMS, EMBED_DIM), dtype=jnp.float32)
    W = jax.random.normal(k5, (EMBED_DIM * 2, 1), dtype=jnp.float32) * (1.0 / np.sqrt(EMBED_DIM * 2))
    b = jax.random.normal(k6, (1,), dtype=jnp.float32) * 0.01
    return {"user_ids": user_ids, "item_ids": item_ids, "user_table": user_table, "item_table": item_table, "W": W, "b": b}

def reference(user_ids, item_ids, user_table, item_table, W, b):
    user_embeds = jnp.take(user_table, user_ids, axis=0)
    item_embeds = jnp.take(item_table, item_ids, axis=0)
    combined = jnp.concatenate([user_embeds, item_embeds], axis=1)
    logits = combined @ W + b
    return jax.nn.sigmoid(logits)

if __name__ == "__main__":
    import jax
    _d = setup_inputs()
    print(jax.jit(kernel)(*tuple(_d.values())))

</pallas_src>

<mosaic_0001>
#map = affine_map<(d0, d1) -> (0)>
module attributes {stable_mosaic.version = 14 : i64} {
  func.func @_sc_body(%arg0: i32, %arg1: i32, %arg2: memref<16384xi32, #tpu.memory_space<hbm>>, %arg3: memref<16384xi32, #tpu.memory_space<hbm>>, %arg4: memref<1000000xf32, #tpu.memory_space<hbm>>, %arg5: memref<1000000xf32, #tpu.memory_space<hbm>>, %arg6: memref<16384xf32, #tpu.memory_space<hbm>>, %arg7: memref<512xi32, #tpu.memory_space<vmem>>, %arg8: memref<512xi32, #tpu.memory_space<vmem>>, %arg9: memref<512xf32, #tpu.memory_space<vmem>>, %arg10: memref<512xf32, #tpu.memory_space<vmem>>, %arg11: memref<!tpu.dma_semaphore, #tpu.memory_space<semaphore_mem>>) attributes {dimension_semantics = [#tpu.dimension_semantics<core_parallel>, #tpu.dimension_semantics<subcore_parallel>], iteration_bounds = array<i64: 2, 16>, scalar_prefetch = 0 : i64, scratch_operands = 5 : i64, tpu.core_type = #tpu.core_type<sc_vector_subcore>, window_params = [{transform_indices = #map}, {transform_indices = #map}, {transform_indices = #map}, {transform_indices = #map}, {transform_indices = #map}]} {
    %mul3A = arith.constant 2 : i32
    %mul3A_0 = arith.muli %arg1, %mul3A : i32
    %add3A = arith.addi %mul3A_0, %arg0 : i32
    %mul3A_1 = arith.constant 512 : i32
    %mul3A_2 = arith.muli %add3A, %mul3A_1 : i32
    "tpu.region"() ({
      %run_scoped3A = tpu.sem_alloc : memref<!tpu.dma_semaphore, #tpu.memory_space<semaphore_mem>>
      %dma_start3A_636 = tpu.memref_slice %arg2[%mul3A_2] : memref<16384xi32, #tpu.memory_space<hbm>> -> memref<512xi32, #tpu.memory_space<hbm>>
      %dma_start3A_637 = tpu.memref_slice %arg2[%mul3A_2] : memref<16384xi32, #tpu.memory_space<hbm>> -> memref<512xi32, #tpu.memory_space<hbm>>
      tpu.enqueue_dma source(%dma_start3A_637 : memref<512xi32, #tpu.memory_space<hbm>>) target(%arg7 : memref<512xi32, #tpu.memory_space<vmem>>) target_semaphore(%run_scoped3A : memref<!tpu.dma_semaphore, #tpu.memory_space<semaphore_mem>>)
      %dma_wait3A_638 = tpu.memref_slice %arg2[%mul3A_2] : memref<16384xi32, #tpu.memory_space<hbm>> -> memref<512xi32, #tpu.memory_space<hbm>>
      %dma_wait3A_639 = tpu.memref_slice %arg2[%mul3A_2] : memref<16384xi32, #tpu.memory_space<hbm>> -> memref<512xi32, #tpu.memory_space<hbm>>
      tpu.wait_dma2 semaphore(%run_scoped3A : memref<!tpu.dma_semaphore, #tpu.memory_space<semaphore_mem>>) src(%dma_wait3A_639 : memref<512xi32, #tpu.memory_space<hbm>>) dst(%arg7 : memref<512xi32, #tpu.memory_space<vmem>>)
      tpu.yield
    }) : () -> ()
    "tpu.region"() ({
      %run_scoped3A = tpu.sem_alloc : memref<!tpu.dma_semaphore, #tpu.memory_space<semaphore_mem>>
      %dma_start3A_636 = tpu.memref_slice %arg3[%mul3A_2] : memref<16384xi32, #tpu.memory_space<hbm>> -> memref<512xi32, #tpu.memory_space<hbm>>
      %dma_start3A_637 = tpu.memref_slice %arg3[%mul3A_2] : memref<16384xi32, #tpu.memory_space<hbm>> -> memref<512xi32, #tpu.memory_space<hbm>>
      tpu.enqueue_dma source(%dma_start3A_637 : memref<512xi32, #tpu.memory_space<hbm>>) target(%arg8 : memref<512xi32, #tpu.memory_space<vmem>>) target_semaphore(%run_scoped3A : memref<!tpu.dma_semaphore, #tpu.memory_space<semaphore_mem>>)
      %dma_wait3A_638 = tpu.memref_slice %arg3[%mul3A_2] : memref<16384xi32, #tpu.memory_space<hbm>> -> memref<512xi32, #tpu.memory_space<hbm>>
      %dma_wait3A_639 = tpu.memref_slice %arg3[%mul3A_2] : memref<16384xi32, #tpu.memory_space<hbm>> -> memref<512xi32, #tpu.memory_space<hbm>>
      tpu.wait_dma2 semaphore(%run_scoped3A : memref<!tpu.dma_semaphore, #tpu.memory_space<semaphore_mem>>) src(%dma_wait3A_639 : memref<512xi32, #tpu.memory_space<hbm>>) dst(%arg8 : memref<512xi32, #tpu.memory_space<vmem>>)
      tpu.yield
    }) : () -> ()
    %dma_start3A = arith.constant 0 : i32
    %dma_start3A_3 = tpu.memref_slice %arg9[%dma_start3A] : memref<512xf32, #tpu.memory_space<vmem>> -> memref<128xf32, #tpu.memory_space<vmem>>
    %dma_start3A_4 = arith.constant 0 : i32
    %dma_start3A_5 = tpu.memref_slice %arg7[%dma_start3A_4] : memref<512xi32, #tpu.memory_space<vmem>> -> memref<128xi32, #tpu.memory_space<vmem>>
    %dma_start3A_6 = arith.constant 0 : i32
    %dma_start3A_7 = tpu.memref_slice %arg4[%dma_start3A_6] : memref<1000000xf32, #tpu.memory_space<hbm>> -> memref<1000000xf32, #tpu.memory_space<hbm>>
    tpu.enqueue_indirect_dma source(%dma_start3A_7 : memref<1000000xf32, #tpu.memory_space<hbm>>) target(%dma_start3A_3 : memref<128xf32, #tpu.memory_space<vmem>>) offsets(%dma_start3A_5 : memref<128xi32, #tpu.memory_space<vmem>>) semaphore(%arg11 : memref<!tpu.dma_semaphore, #tpu.memory_space<semaphore_mem>>)
    %dma_start3A_8 = arith.constant 0 : i32
    %dma_start3A_9 = tpu.memref_slice %arg10[%dma_start3A_8] : memref<512xf32, #tpu.memory_space<vmem>> -> memref<128xf32, #tpu.memory_space<vmem>>
    %dma_start3A_10 = arith.constant 0 : i32
    %dma_start3A_11 = tpu.memref_slice %arg8[%dma_start3A_10] : memref<512xi32, #tpu.memory_space<vmem>> -> memref<128xi32, #tpu.memory_space<vmem>>
    %dma_start3A_12 = arith.constant 0 : i32
    %dma_start3A_13 = tpu.memref_slice %arg5[%dma_start3A_12] : memref<1000000xf32, #tpu.memory_space<hbm>> -> memref<1000000xf32, #tpu.memory_space<hbm>>
    tpu.enqueue_indirect_dma source(%dma_start3A_13 : memref<1000000xf32, #tpu.memory_space<hbm>>) target(%dma_start3A_9 : memref<128xf32, #tpu.memory_space<vmem>>) offsets(%dma_start3A_11 : memref<128xi32, #tpu.memory_space<vmem>>) semaphore(%arg11 : memref<!tpu.dma_semaphore, #tpu.memory_space<semaphore_mem>>)
    %dma_start3A_14 = arith.constant 128 : i32
    %dma_start3A_15 = tpu.memref_slice %arg9[%dma_start3A_14] : memref<512xf32, #tpu.memory_space<vmem>> -> memref<128xf32, #tpu.memory_space<vmem>>
    %dma_start3A_16 = arith.constant 128 : i32
    %dma_start3A_17 = tpu.memref_slice %arg7[%dma_start3A_16] : memref<512xi32, #tpu.memory_space<vmem>> -> memref<128xi32, #tpu.memory_space<vmem>>
    %dma_start3A_18 = arith.constant 0 : i32
    %dma_start3A_19 = tpu.memref_slice %arg4[%dma_start3A_18] : memref<1000000xf32, #tpu.memory_space<hbm>> -> memref<1000000xf32, #tpu.memory_space<hbm>>
    tpu.enqueue_indirect_dma source(%dma_start3A_19 : memref<1000000xf32, #tpu.memory_space<hbm>>) target(%dma_start3A_15 : memref<128xf32, #tpu.memory_space<vmem>>) offsets(%dma_start3A_17 : memref<128xi32, #tpu.memory_space<vmem>>) semaphore(%arg11 : memref<!tpu.dma_semaphore, #tpu.memory_space<semaphore_mem>>)
    %dma_start3A_20 = arith.constant 128 : i32
    %dma_start3A_21 = tpu.memref_slice %arg10[%dma_start3A_20] : memref<512xf32, #tpu.memory_space<vmem>> -> memref<128xf32, #tpu.memory_space<vmem>>
    %dma_start3A_22 = arith.constant 128 : i32
    %dma_start3A_23 = tpu.memref_slice %arg8[%dma_start3A_22] : memref<512xi32, #tpu.memory_space<vmem>> -> memref<128xi32, #tpu.memory_space<vmem>>
    %dma_start3A_24 = arith.constant 0 : i32
    %dma_start3A_25 = tpu.memref_slice %arg5[%dma_start3A_24] : memref<1000000xf32, #tpu.memory_space<hbm>> -> memref<1000000xf32, #tpu.memory_space<hbm>>
    tpu.enqueue_indirect_dma source(%dma_start3A_25 : memref<1000000xf32, #tpu.memory_space<hbm>>) target(%dma_start3A_21 : memref<128xf32, #tpu.memory_space<vmem>>) offsets(%dma_start3A_23 : memref<128xi32, #tpu.memory_space<vmem>>) semaphore(%arg11 : memref<!tpu.dma_semaphore, #tpu.memory_space<semaphore_mem>>)
    %dma_start3A_26 = arith.constant 256 : i32
    %dma_start3A_27 = tpu.memref_slice %arg9[%dma_start3A_26] : memref<512xf32, #tpu.memory_space<vmem>> -> memref<128xf32, #tpu.memory_space<vmem>>
    %dma_start3A_28 = arith.constant 256 : i32
    %dma_start3A_29 = tpu.memref_slice %arg7[%dma_start3A_28] : memref<512xi32, #tpu.memory_space<vmem>> -> memref<128xi32, #tpu.memory_space<vmem>>
    %dma_start3A_30 = arith.constant 0 : i32
    %dma_start3A_31 = tpu.memref_slice %arg4[%dma_start3A_30] : memref<1000000xf32, #tpu.memory_space<hbm>> -> memref<1000000xf32, #tpu.memory_space<hbm>>
    tpu.enqueue_indirect_dma source(%dma_start3A_31 : memref<1000000xf32, #tpu.memory_space<hbm>>) target(%dma_start3A_27 : memref<128xf32, #tpu.memory_space<vmem>>) offsets(%dma_start3A_29 : memref<128xi32, #tpu.memory_space<vmem>>) semaphore(%arg11 : memref<!tpu.dma_semaphore, #tpu.memory_space<semaphore_mem>>)
    %dma_start3A_32 = arith.constant 256 : i32
    %dma_start3A_33 = tpu.memref_slice %arg10[%dma_start3A_32] : memref<512xf32, #tpu.memory_space<vmem>> -> memref<128xf32, #tpu.memory_space<vmem>>
    %dma_start3A_34 = arith.constant 256 : i32
    %dma_start3A_35 = tpu.memref_slice %arg8[%dma_start3A_34] : memref<512xi32, #tpu.memory_space<vmem>> -> memref<128xi32, #tpu.memory_space<vmem>>
    %dma_start3A_36 = arith.constant 0 : i32
    %dma_start3A_37 = tpu.memref_slice %arg5[%dma_start3A_36] : memref<1000000xf32, #tpu.memory_space<hbm>> -> memref<1000000xf32, #tpu.memory_space<hbm>>
    tpu.enqueue_indirect_dma source(%dma_start3A_37 : memref<1000000xf32, #tpu.memory_space<hbm>>) target(%dma_start3A_33 : memref<128xf32, #tpu.memory_space<vmem>>) offsets(%dma_start3A_35 : memref<128xi32, #tpu.memory_space<vmem>>) semaphore(%arg11 : memref<!tpu.dma_semaphore, #tpu.memory_space<semaphore_mem>>)
    %dma_start3A_38 = arith.constant 384 : i32
    %dma_start3A_39 = tpu.memref_slice %arg9[%dma_start3A_38] : memref<512xf32, #tpu.memory_space<vmem>> -> memref<128xf32, #tpu.memory_space<vmem>>
    %dma_start3A_40 = arith.constant 384 : i32
    %dma_start3A_41 = tpu.memref_slice %arg7[%dma_start3A_40] : memref<512xi32, #tpu.memory_space<vmem>> -> memref<128xi32, #tpu.memory_space<vmem>>
    %dma_start3A_42 = arith.constant 0 : i32
    %dma_start3A_43 = tpu.memref_slice %arg4[%dma_start3A_42] : memref<1000000xf32, #tpu.memory_space<hbm>> -> memref<1000000xf32, #tpu.memory_space<hbm>>
    tpu.enqueue_indirect_dma source(%dma_start3A_43 : memref<1000000xf32, #tpu.memory_space<hbm>>) target(%dma_start3A_39 : memref<128xf32, #tpu.memory_space<vmem>>) offsets(%dma_start3A_41 : memref<128xi32, #tpu.memory_space<vmem>>) semaphore(%arg11 : memref<!tpu.dma_semaphore, #tpu.memory_space<semaphore_mem>>)
    %dma_start3A_44 = arith.constant 384 : i32
    %dma_start3A_45 = tpu.memref_slice %arg10[%dma_start3A_44] : memref<512xf32, #tpu.memory_space<vmem>> -> memref<128xf32, #tpu.memory_space<vmem>>
    %dma_start3A_46 = arith.constant 384 : i32
    %dma_start3A_47 = tpu.memref_slice %arg8[%dma_start3A_46] : memref<512xi32, #tpu.memory_space<vmem>> -> memref<128xi32, #tpu.memory_space<vmem>>
    %dma_start3A_48 = arith.constant 0 : i32
    %dma_start3A_49 = tpu.memref_slice %arg5[%dma_start3A_48] : memref<1000000xf32, #tpu.memory_space<hbm>> -> memref<1000000xf32, #tpu.memory_space<hbm>>
    tpu.enqueue_indirect_dma source(%dma_start3A_49 : memref<1000000xf32, #tpu.memory_space<hbm>>) target(%dma_start3A_45 : memref<128xf32, #tpu.memory_space<vmem>>) offsets(%dma_start3A_47 : memref<128xi32, #tpu.memory_space<vmem>>) semaphore(%arg11 : memref<!tpu.dma_semaphore, #tpu.memory_space<semaphore_mem>>)
    %dma_wait3A = arith.constant 0 : i32
    %dma_wait3A_50 = tpu.memref_slice %arg9[%dma_wait3A] : memref<512xf32, #tpu.memory_space<vmem>> -> memref<128xf32, #tpu.memory_space<vmem>>
    %dma_wait3A_51 = arith.constant 0 : i32
    %dma_wait3A_52 = tpu.memref_slice %arg7[%dma_wait3A_51] : memref<512xi32, #tpu.memory_space<vmem>> -> memref<128xi32, #tpu.memory_space<vmem>>
    %dma_wait3A_53 = arith.constant 0 : i32
    %dma_wait3A_54 = tpu.memref_slice %arg4[%dma_wait3A_53] : memref<1000000xf32, #tpu.memory_space<hbm>> -> memref<1000000xf32, #tpu.memory_space<hbm>>
    tpu.wait_indirect_dma semaphore(%arg11 : memref<!tpu.dma_semaphore, #tpu.memory_space<semaphore_mem>>) src(%dma_wait3A_54 : memref<1000000xf32, #tpu.memory_space<hbm>>) dst(%dma_wait3A_50 : memref<128xf32, #tpu.memory_space<vmem>>)
    %dma_wait3A_55 = arith.constant 0 : i32
    %dma_wait3A_56 = tpu.memref_slice %arg10[%dma_wait3A_55] : memref<512xf32, #tpu.memory_space<vmem>> -> memref<128xf32, #tpu.memory_space<vmem>>
    %dma_wait3A_57 = arith.constant 0 : i32
    %dma_wait3A_58 = tpu.memref_slice %arg8[%dma_wait3A_57] : memref<512xi32, #tpu.memory_space<vmem>> -> memref<128xi32, #tpu.memory_space<vmem>>
    %dma_wait3A_59 = arith.constant 0 : i32
    %dma_wait3A_60 = tpu.memref_slice %arg5[%dma_wait3A_59] : memref<1000000xf32, #tpu.memory_space<hbm>> -> memref<1000000xf32, #tpu.memory_space<hbm>>
    tpu.wait_indirect_dma semaphore(%arg11 : memref<!tpu.dma_semaphore, #tpu.memory_space<semaphore_mem>>) src(%dma_wait3A_60 : memref<1000000xf32, #tpu.memory_space<hbm>>) dst(%dma_wait3A_56 : memref<128xf32, #tpu.memory_space<vmem>>)
    %dma_wait3A_61 = arith.constant 128 : i32
    %dma_wait3A_62 = tpu.memref_slice %arg9[%dma_wait3A_61] : memref<512xf32, #tpu.memory_space<vmem>> -> memref<128xf32, #tpu.memory_space<vmem>>
    %dma_wait3A_63 = arith.constant 128 : i32
    %dma_wait3A_64 = tpu.memref_slice %arg7[%dma_wait3A_63] : memref<512xi32, #tpu.memory_space<vmem>> -> memref<128xi32, #tpu.memory_space<vmem>>
    %dma_wait3A_65 = arith.constant 0 : i32
    %dma_wait3A_66 = tpu.memref_slice %arg4[%dma_wait3A_65] : memref<1000000xf32, #tpu.memory_space<hbm>> -> memref<1000000xf32, #tpu.memory_space<hbm>>
    tpu.wait_indirect_dma semaphore(%arg11 : memref<!tpu.dma_semaphore, #tpu.memory_space<semaphore_mem>>) src(%dma_wait3A_66 : memref<1000000xf32, #tpu.memory_space<hbm>>) dst(%dma_wait3A_62 : memref<128xf32, #tpu.memory_space<vmem>>)
    %dma_wait3A_67 = arith.constant 128 : i32
    %dma_wait3A_68 = tpu.memref_slice %arg10[%dma_wait3A_67] : memref<512xf32, #tpu.memory_space<vmem>> -> memref<128xf32, #tpu.memory_space<vmem>>
    %dma_wait3A_69 = arith.constant 128 : i32
    %dma_wait3A_70 = tpu.memref_slice %arg8[%dma_wait3A_69] : memref<512xi32, #tpu.memory_space<vmem>> -> memref<128xi32, #tpu.memory_space<vmem>>
    %dma_wait3A_71 = arith.constant 0 : i32
    %dma_wait3A_72 = tpu.memref_slice %arg5[%dma_wait3A_71] : memref<1000000xf32, #tpu.memory_space<hbm>> -> memref<1000000xf32, #tpu.memory_space<hbm>>
    tpu.wait_indirect_dma semaphore(%arg11 : memref<!tpu.dma_semaphore, #tpu.memory_space<semaphore_mem>>) src(%dma_wait3A_72 : memref<1000000xf32, #tpu.memory_space<hbm>>) dst(%dma_wait3A_68 : memref<128xf32, #tpu.memory_space<vmem>>)
    %dma_wait3A_73 = arith.constant 256 : i32
    %dma_wait3A_74 = tpu.memref_slice %arg9[%dma_wait3A_73] : memref<512xf32, #tpu.memory_space<vmem>> -> memref<128xf32, #tpu.memory_space<vmem>>
    %dma_wait3A_75 = arith.constant 256 : i32
    %dma_wait3A_76 = tpu.memref_slice %arg7[%dma_wait3A_75] : memref<512xi32, #tpu.memory_space<vmem>> -> memref<128xi32, #tpu.memory_space<vmem>>
    %dma_wait3A_77 = arith.constant 0 : i32
    %dma_wait3A_78 = tpu.memref_slice %arg4[%dma_wait3A_77] : memref<1000000xf32, #tpu.memory_space<hbm>> -> memref<1000000xf32, #tpu.memory_space<hbm>>
    tpu.wait_indirect_dma semaphore(%arg11 : memref<!tpu.dma_semaphore, #tpu.memory_space<semaphore_mem>>) src(%dma_wait3A_78 : memref<1000000xf32, #tpu.memory_space<hbm>>) dst(%dma_wait3A_74 : memref<128xf32, #tpu.memory_space<vmem>>)
    %dma_wait3A_79 = arith.constant 256 : i32
    %dma_wait3A_80 = tpu.memref_slice %arg10[%dma_wait3A_79] : memref<512xf32, #tpu.memory_space<vmem>> -> memref<128xf32, #tpu.memory_space<vmem>>
    %dma_wait3A_81 = arith.constant 256 : i32
    %dma_wait3A_82 = tpu.memref_slice %arg8[%dma_wait3A_81] : memref<512xi32, #tpu.memory_space<vmem>> -> memref<128xi32, #tpu.memory_space<vmem>>
    %dma_wait3A_83 = arith.constant 0 : i32
    %dma_wait3A_84 = tpu.memref_slice %arg5[%dma_wait3A_83] : memref<1000000xf32, #tpu.memory_space<hbm>> -> memref<1000000xf32, #tpu.memory_space<hbm>>
    tpu.wait_indirect_dma semaphore(%arg11 : memref<!tpu.dma_semaphore, #tpu.memory_space<semaphore_mem>>) src(%dma_wait3A_84 : memref<1000000xf32, #tpu.memory_space<hbm>>) dst(%dma_wait3A_80 : memref<128xf32, #tpu.memory_space<vmem>>)
    %dma_wait3A_85 = arith.constant 384 : i32
    %dma_wait3A_86 = tpu.memref_slice %arg9[%dma_wait3A_85] : memref<512xf32, #tpu.memory_space<vmem>> -> memref<128xf32, #tpu.memory_space<vmem>>
    %dma_wait3A_87 = arith.constant 384 : i32
    %dma_wait3A_88 = tpu.memref_slice %arg7[%dma_wait3A_87] : memref<512xi32, #tpu.memory_space<vmem>> -> memref<128xi32, #tpu.memory_space<vmem>>
    %dma_wait3A_89 = arith.constant 0 : i32
    %dma_wait3A_90 = tpu.memref_slice %arg4[%dma_wait3A_89] : memref<1000000xf32, #tpu.memory_space<hbm>> -> memref<1000000xf32, #tpu.memory_space<hbm>>
    tpu.wait_indirect_dma semaphore(%arg11 : memref<!tpu.dma_semaphore, #tpu.memory_space<semaphore_mem>>) src(%dma_wait3A_90 : memref<1000000xf32, #tpu.memory_space<hbm>>) dst(%dma_wait3A_86 : memref<128xf32, #tpu.memory_space<vmem>>)
    %dma_wait3A_91 = arith.constant 384 : i32
    %dma_wait3A_92 = tpu.memref_slice %arg10[%dma_wait3A_91] : memref<512xf32, #tpu.memory_space<vmem>> -> memref<128xf32, #tpu.memory_space<vmem>>
    %dma_wait3A_93 = arith.constant 384 : i32
    %dma_wait3A_94 = tpu.memref_slice %arg8[%dma_wait3A_93] : memref<512xi32, #tpu.memory_space<vmem>> -> memref<128xi32, #tpu.memory_space<vmem>>
    %dma_wait3A_95 = arith.constant 0 : i32
    %dma_wait3A_96 = tpu.memref_slice %arg5[%dma_wait3A_95] : memref<1000000xf32, #tpu.memory_space<hbm>> -> memref<1000000xf32, #tpu.memory_space<hbm>>
    tpu.wait_indirect_dma semaphore(%arg11 : memref<!tpu.dma_semaphore, #tpu.memory_space<semaphore_mem>>) src(%dma_wait3A_96 : memref<1000000xf32, #tpu.memory_space<hbm>>) dst(%dma_wait3A_92 : memref<128xf32, #tpu.memory_space<vmem>>)
    %get3A = arith.constant 0 : index
    %get3A_97 = tpu.vector_load %arg9[%get3A] {strides = array<i32>} : memref<512xf32, #tpu.memory_space<vmem>>, vector<16xf32>,
    %get3A_98 = arith.constant 0 : index
    %get3A_99 = tpu.vector_load %arg10[%get3A_98] {strides = array<i32>} : memref<512xf32, #tpu.memory_space<vmem>>, vector<16xf32>,
    %add3A_100 = arith.addf %get3A_97, %get3A_99 : vector<16xf32>
    %neg3A = arith.constant 0.000000e+00 : f32
    %neg3A_101 = vector.broadcast %neg3A : f32 to vector<16xf32>
    %neg3A_102 = arith.subf %neg3A_101, %add3A_100 : vector<16xf32>
    %exp3A = math.exp %neg3A_102 : vector<16xf32>
    %add3A_103 = arith.constant 1.000000e+00 : f32
    %add3A_104 = vector.broadcast %add3A_103 : f32 to vector<16xf32>
    %add3A_105 = arith.addf %add3A_104, %exp3A : vector<16xf32>
    %div3A = arith.constant 1.000000e+00 : f32
    %div3A_106 = vector.broadcast %div3A : f32 to vector<16xf32>
    %div3A_107 = arith.divf %div3A_106, %add3A_105 : vector<16xf32>
    %swap3A = arith.constant 0 : index
    %swap3A_108 = tpu.vector_load %arg9[%swap3A] {strides = array<i32>} : memref<512xf32, #tpu.memory_space<vmem>>, vector<16xf32>,
    tpu.vector_store %arg9[%swap3A], %div3A_107 {strides = array<i32>} : memref<512xf32, #tpu.memory_space<vmem>>, vector<16xf32>,
    %get3A_109 = arith.constant 16 : index
    %get3A_110 = tpu.vector_load %arg9[%get3A_109] {strides = array<i32>} : memref<512xf32, #tpu.memory_space<vmem>>, vector<16xf32>,
    %get3A_111 = arith.constant 16 : index
    %get3A_112 = tpu.vector_load %arg10[%get3A_111] {strides = array<i32>} : memref<512xf32, #tpu.memory_space<vmem>>, vector<16xf32>,
    %add3A_113 = arith.addf %get3A_110, %get3A_112 : vector<16xf32>
    %neg3A_114 = arith.constant 0.000000e+00 : f32
    %neg3A_115 = vector.broadcast %neg3A_114 : f32 to vector<16xf32>
    %neg3A_116 = arith.subf %neg3A_115, %add3A_113 : vector<16xf32>
    %exp3A_117 = math.exp %neg3A_116 : vector<16xf32>
    %add3A_118 = arith.constant 1.000000e+00 : f32
    %add3A_119 = vector.broadcast %add3A_118 : f32 to vector<16xf32>
    %add3A_120 = arith.addf %add3A_119, %exp3A_117 : vector<16xf32>
    %div3A_121 = arith.constant 1.000000e+00 : f32
    %div3A_122 = vector.broadcast %div3A_121 : f32 to vector<16xf32>
    %div3A_123 = arith.divf %div3A_122, %add3A_120 : vector<16xf32>
    %swap3A_124 = arith.constant 16 : index
    %swap3A_125 = tpu.vector_load %arg9[%swap3A_124] {strides = array<i32>} : memref<512xf32, #tpu.memory_space<vmem>>, vector<16xf32>,
    tpu.vector_store %arg9[%swap3A_124], %div3A_123 {strides = array<i32>} : memref<512xf32, #tpu.memory_space<vmem>>, vector<16xf32>,
    %get3A_126 = arith.constant 32 : index
    %get3A_127 = tpu.vector_load %arg9[%get3A_126] {strides = array<i32>} : memref<512xf32, #tpu.memory_space<vmem>>, vector<16xf32>,
    %get3A_128 = arith.constant 32 : index
    %get3A_129 = tpu.vector_load %arg10[%get3A_128] {strides = array<i32>} : memref<512xf32, #tpu.memory_space<vmem>>, vector<16xf32>,
    %add3A_130 = arith.addf %get3A_127, %get3A_129 : vector<16xf32>
    %neg3A_131 = arith.constant 0.000000e+00 : f32
    %neg3A_132 = vector.broadcast %neg3A_131 : f32 to vector<16xf32>
    %neg3A_133 = arith.subf %neg3A_132, %add3A_130 : vector<16xf32>
    %exp3A_134 = math.exp %neg3A_133 : vector<16xf32>
    %add3A_135 = arith.constant 1.000000e+00 : f32
    %add3A_136 = vector.broadcast %add3A_135 : f32 to vector<16xf32>
    %add3A_137 = arith.addf %add3A_136, %exp3A_134 : vector<16xf32>
    %div3A_138 = arith.constant 1.000000e+00 : f32
    %div3A_139 = vector.broadcast %div3A_138 : f32 to vector<16xf32>
    %div3A_140 = arith.divf %div3A_139, %add3A_137 : vector<16xf32>
    %swap3A_141 = arith.constant 32 : index
    %swap3A_142 = tpu.vector_load %arg9[%swap3A_141] {strides = array<i32>} : memref<512xf32, #tpu.memory_space<vmem>>, vector<16xf32>,
    tpu.vector_store %arg9[%swap3A_141], %div3A_140 {strides = array<i32>} : memref<512xf32, #tpu.memory_space<vmem>>, vector<16xf32>,
    %get3A_143 = arith.constant 48 : index
    %get3A_144 = tpu.vector_load %arg9[%get3A_143] {strides = array<i32>} : memref<512xf32, #tpu.memory_space<vmem>>, vector<16xf32>,
    %get3A_145 = arith.constant 48 : index
    %get3A_146 = tpu.vector_load %arg10[%get3A_145] {strides = array<i32>} : memref<512xf32, #tpu.memory_space<vmem>>, vector<16xf32>,
    %add3A_147 = arith.addf %get3A_144, %get3A_146 : vector<16xf32>
    %neg3A_148 = arith.constant 0.000000e+00 : f32
    %neg3A_149 = vector.broadcast %neg3A_148 : f32 to vector<16xf32>
    %neg3A_150 = arith.subf %neg3A_149, %add3A_147 : vector<16xf32>
    %exp3A_151 = math.exp %neg3A_150 : vector<16xf32>
    %add3A_152 = arith.constant 1.000000e+00 : f32
    %add3A_153 = vector.broadcast %add3A_152 : f32 to vector<16xf32>
    %add3A_154 = arith.addf %add3A_153, %exp3A_151 : vector<16xf32>
    %div3A_155 = arith.constant 1.000000e+00 : f32
    %div3A_156 = vector.broadcast %div3A_155 : f32 to vector<16xf32>
    %div3A_157 = arith.divf %div3A_156, %add3A_154 : vector<16xf32>
    %swap3A_158 = arith.constant 48 : index
    %swap3A_159 = tpu.vector_load %arg9[%swap3A_158] {strides = array<i32>} : memref<512xf32, #tpu.memory_space<vmem>>, vector<16xf32>,
    tpu.vector_store %arg9[%swap3A_158], %div3A_157 {strides = array<i32>} : memref<512xf32, #tpu.memory_space<vmem>>, vector<16xf32>,
    %get3A_160 = arith.constant 64 : index
    %get3A_161 = tpu.vector_load %arg9[%get3A_160] {strides = array<i32>} : memref<512xf32, #tpu.memory_space<vmem>>, vector<16xf32>,
    %get3A_162 = arith.constant 64 : index
    %get3A_163 = tpu.vector_load %arg10[%get3A_162] {strides = array<i32>} : memref<512xf32, #tpu.memory_space<vmem>>, vector<16xf32>,
    %add3A_164 = arith.addf %get3A_161, %get3A_163 : vector<16xf32>
    %neg3A_165 = arith.constant 0.000000e+00 : f32
    %neg3A_166 = vector.broadcast %neg3A_165 : f32 to vector<16xf32>
    %neg3A_167 = arith.subf %neg3A_166, %add3A_164 : vector<16xf32>
    %exp3A_168 = math.exp %neg3A_167 : vector<16xf32>
    %add3A_169 = arith.constant 1.000000e+00 : f32
    %add3A_170 = vector.broadcast %add3A_169 : f32 to vector<16xf32>
    %add3A_171 = arith.addf %add3A_170, %exp3A_168 : vector<16xf32>
    %div3A_172 = arith.constant 1.000000e+00 : f32
    %div3A_173 = vector.broadcast %div3A_172 : f32 to vector<16xf32>
    %div3A_174 = arith.divf %div3A_173, %add3A_171 : vector<16xf32>
    %swap3A_175 = arith.constant 64 : index
    %swap3A_176 = tpu.vector_load %arg9[%swap3A_175] {strides = array<i32>} : memref<512xf32, #tpu.memory_space<vmem>>, vector<16xf32>,
    tpu.vector_store %arg9[%swap3A_175], %div3A_174 {strides = array<i32>} : memref<512xf32, #tpu.memory_space<vmem>>, vector<16xf32>,
    %get3A_177 = arith.constant 80 : index
    %get3A_178 = tpu.vector_load %arg9[%get3A_177] {strides = array<i32>} : memref<512xf32, #tpu.memory_space<vmem>>, vector<16xf32>,
    %get3A_179 = arith.constant 80 : index
    %get3A_180 = tpu.vector_load %arg10[%get3A_179] {strides = array<i32>} : memref<512xf32, #tpu.memory_space<vmem>>, vector<16xf32>,
    %add3A_181 = arith.addf %get3A_178, %get3A_180 : vector<16xf32>
    %neg3A_182 = arith.constant 0.000000e+00 : f32
    %neg3A_183 = vector.broadcast %neg3A_182 : f32 to vector<16xf32>
    %neg3A_184 = arith.subf %neg3A_183, %add3A_181 : vector<16xf32>
    %exp3A_185 = math.exp %neg3A_184 : vector<16xf32>
    %add3A_186 = arith.constant 1.000000e+00 : f32
    %add3A_187 = vector.broadcast %add3A_186 : f32 to vector<16xf32>
    %add3A_188 = arith.addf %add3A_187, %exp3A_185 : vector<16xf32>
    %div3A_189 = arith.constant 1.000000e+00 : f32
    %div3A_190 = vector.broadcast %div3A_189 : f32 to vector<16xf32>
    %div3A_191 = arith.divf %div3A_190, %add3A_188 : vector<16xf32>
    %swap3A_192 = arith.constant 80 : index
    %swap3A_193 = tpu.vector_load %arg9[%swap3A_192] {strides = array<i32>} : memref<512xf32, #tpu.memory_space<vmem>>, vector<16xf32>,
    tpu.vector_store %arg9[%swap3A_192], %div3A_191 {strides = array<i32>} : memref<512xf32, #tpu.memory_space<vmem>>, vector<16xf32>,
    %get3A_194 = arith.constant 96 : index
    %get3A_195 = tpu.vector_load %arg9[%get3A_194] {strides = array<i32>} : memref<512xf32, #tpu.memory_space<vmem>>, vector<16xf32>,
    %get3A_196 = arith.constant 96 : index
    %get3A_197 = tpu.vector_load %arg10[%get3A_196] {strides = array<i32>} : memref<512xf32, #tpu.memory_space<vmem>>, vector<16xf32>,
    %add3A_198 = arith.addf %get3A_195, %get3A_197 : vector<16xf32>
    %neg3A_199 = arith.constant 0.000000e+00 : f32
    %neg3A_200 = vector.broadcast %neg3A_199 : f32 to vector<16xf32>
    %neg3A_201 = arith.subf %neg3A_200, %add3A_198 : vector<16xf32>
    %exp3A_202 = math.exp %neg3A_201 : vector<16xf32>
    %add3A_203 = arith.constant 1.000000e+00 : f32
    %add3A_204 = vector.broadcast %add3A_203 : f32 to vector<16xf32>
    %add3A_205 = arith.addf %add3A_204, %exp3A_202 : vector<16xf32>
    %div3A_206 = arith.constant 1.000000e+00 : f32
    %div3A_207 = vector.broadcast %div3A_206 : f32 to vector<16xf32>
    %div3A_208 = arith.divf %div3A_207, %add3A_205 : vector<16xf32>
    %swap3A_209 = arith.constant 96 : index
    %swap3A_210 = tpu.vector_load %arg9[%swap3A_209] {strides = array<i32>} : memref<512xf32, #tpu.memory_space<vmem>>, vector<16xf32>,
    tpu.vector_store %arg9[%swap3A_209], %div3A_208 {strides = array<i32>} : memref<512xf32, #tpu.memory_space<vmem>>, vector<16xf32>,
    %get3A_211 = arith.constant 112 : index
    %get3A_212 = tpu.vector_load %arg9[%get3A_211] {strides = array<i32>} : memref<512xf32, #tpu.memory_space<vmem>>, vector<16xf32>,
    %get3A_213 = arith.constant 112 : index
    %get3A_214 = tpu.vector_load %arg10[%get3A_213] {strides = array<i32>} : memref<512xf32, #tpu.memory_space<vmem>>, vector<16xf32>,
    %add3A_215 = arith.addf %get3A_212, %get3A_214 : vector<16xf32>
    %neg3A_216 = arith.constant 0.000000e+00 : f32
    %neg3A_217 = vector.broadcast %neg3A_216 : f32 to vector<16xf32>
    %neg3A_218 = arith.subf %neg3A_217, %add3A_215 : vector<16xf32>
    %exp3A_219 = math.exp %neg3A_218 : vector<16xf32>
    %add3A_220 = arith.constant 1.000000e+00 : f32
    %add3A_221 = vector.broadcast %add3A_220 : f32 to vector<16xf32>
    %add3A_222 = arith.addf %add3A_221, %exp3A_219 : vector<16xf32>
    %div3A_223 = arith.constant 1.000000e+00 : f32
    %div3A_224 = vector.broadcast %div3A_223 : f32 to vector<16xf32>
    %div3A_225 = arith.divf %div3A_224, %add3A_222 : vector<16xf32>
    %swap3A_226 = arith.constant 112 : index
    %swap3A_227 = tpu.vector_load %arg9[%swap3A_226] {strides = array<i32>} : memref<512xf32, #tpu.memory_space<vmem>>, vector<16xf32>,
    tpu.vector_store %arg9[%swap3A_226], %div3A_225 {strides = array<i32>} : memref<512xf32, #tpu.memory_space<vmem>>, vector<16xf32>,
    %get3A_228 = arith.constant 128 : index
    %get3A_229 = tpu.vector_load %arg9[%get3A_228] {strides = array<i32>} : memref<512xf32, #tpu.memory_space<vmem>>, vector<16xf32>,
    %get3A_230 = arith.constant 128 : index
    %get3A_231 = tpu.vector_load %arg10[%get3A_230] {strides = array<i32>} : memref<512xf32, #tpu.memory_space<vmem>>, vector<16xf32>,
    %add3A_232 = arith.addf %get3A_229, %get3A_231 : vector<16xf32>
    %neg3A_233 = arith.constant 0.000000e+00 : f32
    %neg3A_234 = vector.broadcast %neg3A_233 : f32 to vector<16xf32>
    %neg3A_235 = arith.subf %neg3A_234, %add3A_232 : vector<16xf32>
    %exp3A_236 = math.exp %neg3A_235 : vector<16xf32>
    %add3A_237 = arith.constant 1.000000e+00 : f32
    %add3A_238 = vector.broadcast %add3A_237 : f32 to vector<16xf32>
    %add3A_239 = arith.addf %add3A_238, %exp3A_236 : vector<16xf32>
    %div3A_240 = arith.constant 1.000000e+00 : f32
    %div3A_241 = vector.broadcast %div3A_240 : f32 to vector<16xf32>
    %div3A_242 = arith.divf %div3A_241, %add3A_239 : vector<16xf32>
    %swap3A_243 = arith.constant 128 : index
    %swap3A_244 = tpu.vector_load %arg9[%swap3A_243] {strides = array<i32>} : memref<512xf32, #tpu.memory_space<vmem>>, vector<16xf32>,
    tpu.vector_store %arg9[%swap3A_243], %div3A_242 {strides = array<i32>} : memref<512xf32, #tpu.memory_space<vmem>>, vector<16xf32>,
    %get3A_245 = arith.constant 144 : index
    %get3A_246 = tpu.vector_load %arg9[%get3A_245] {strides = array<i32>} : memref<512xf32, #tpu.memory_space<vmem>>, vector<16xf32>,
    %get3A_247 = arith.constant 144 : index
    %get3A_248 = tpu.vector_load %arg10[%get3A_247] {strides = array<i32>} : memref<512xf32, #tpu.memory_space<vmem>>, vector<16xf32>,
    %add3A_249 = arith.addf %get3A_246, %get3A_248 : vector<16xf32>
    %neg3A_250 = arith.constant 0.000000e+00 : f32
    %neg3A_251 = vector.broadcast %neg3A_250 : f32 to vector<16xf32>
    %neg3A_252 = arith.subf %neg3A_251, %add3A_249 : vector<16xf32>
    %exp3A_253 = math.exp %neg3A_252 : vector<16xf32>
    %add3A_254 = arith.constant 1.000000e+00 : f32
    %add3A_255 = vector.broadcast %add3A_254 : f32 to vector<16xf32>
    %add3A_256 = arith.addf %add3A_255, %exp3A_253 : vector<16xf32>
    %div3A_257 = arith.constant 1.000000e+00 : f32
    %div3A_258 = vector.broadcast %div3A_257 : f32 to vector<16xf32>
    %div3A_259 = arith.divf %div3A_258, %add3A_256 : vector<16xf32>
    %swap3A_260 = arith.constant 144 : index
    %swap3A_261 = tpu.vector_load %arg9[%swap3A_260] {strides = array<i32>} : memref<512xf32, #tpu.memory_space<vmem>>, vector<16xf32>,
    tpu.vector_store %arg9[%swap3A_260], %div3A_259 {strides = array<i32>} : memref<512xf32, #tpu.memory_space<vmem>>, vector<16xf32>,
    %get3A_262 = arith.constant 160 : index
    %get3A_263 = tpu.vector_load %arg9[%get3A_262] {strides = array<i32>} : memref<512xf32, #tpu.memory_space<vmem>>, vector<16xf32>,
    %get3A_264 = arith.constant 160 : index
    %get3A_265 = tpu.vector_load %arg10[%get3A_264] {strides = array<i32>} : memref<512xf32, #tpu.memory_space<vmem>>, vector<16xf32>,
    %add3A_266 = arith.addf %get3A_263, %get3A_265 : vector<16xf32>
    %neg3A_267 = arith.constant 0.000000e+00 : f32
    %neg3A_268 = vector.broadcast %neg3A_267 : f32 to vector<16xf32>
    %neg3A_269 = arith.subf %neg3A_268, %add3A_266 : vector<16xf32>
    %exp3A_270 = math.exp %neg3A_269 : vector<16xf32>
    %add3A_271 = arith.constant 1.000000e+00 : f32
    %add3A_272 = vector.broadcast %add3A_271 : f32 to vector<16xf32>
    %add3A_273 = arith.addf %add3A_272, %exp3A_270 : vector<16xf32>
    %div3A_274 = arith.constant 1.000000e+00 : f32
    %div3A_275 = vector.broadcast %div3A_274 : f32 to vector<16xf32>
    %div3A_276 = arith.divf %div3A_275, %add3A_273 : vector<16xf32>
    %swap3A_277 = arith.constant 160 : index
    %swap3A_278 = tpu.vector_load %arg9[%swap3A_277] {strides = array<i32>} : memref<512xf32, #tpu.memory_space<vmem>>, vector<16xf32>,
    tpu.vector_store %arg9[%swap3A_277], %div3A_276 {strides = array<i32>} : memref<512xf32, #tpu.memory_space<vmem>>, vector<16xf32>,
    %get3A_279 = arith.constant 176 : index
    %get3A_280 = tpu.vector_load %arg9[%get3A_279] {strides = array<i32>} : memref<512xf32, #tpu.memory_space<vmem>>, vector<16xf32>,
    %get3A_281 = arith.constant 176 : index
    %get3A_282 = tpu.vector_load %arg10[%get3A_281] {strides = array<i32>} : memref<512xf32, #tpu.memory_space<vmem>>, vector<16xf32>,
    %add3A_283 = arith.addf %get3A_280, %get3A_282 : vector<16xf32>
    %neg3A_284 = arith.constant 0.000000e+00 : f32
    %neg3A_285 = vector.broadcast %neg3A_284 : f32 to vector<16xf32>
    %neg3A_286 = arith.subf %neg3A_285, %add3A_283 : vector<16xf32>
    %exp3A_287 = math.exp %neg3A_286 : vector<16xf32>
    %add3A_288 = arith.constant 1.000000e+00 : f32
    %add3A_289 = vector.broadcast %add3A_288 : f32 to vector<16xf32>
    %add3A_290 = arith.addf %add3A_289, %exp3A_287 : vector<16xf32>
    %div3A_291 = arith.constant 1.000000e+00 : f32
    %div3A_292 = vector.broadcast %div3A_291 : f32 to vector<16xf32>
    %div3A_293 = arith.divf %div3A_292, %add3A_290 : vector<16xf32>
    %swap3A_294 = arith.constant 176 : index
    %swap3A_295 = tpu.vector_load %arg9[%swap3A_294] {strides = array<i32>} : memref<512xf32, #tpu.memory_space<vmem>>, vector<16xf32>,
    tpu.vector_store %arg9[%swap3A_294], %div3A_293 {strides = array<i32>} : memref<512xf32, #tpu.memory_space<vmem>>, vector<16xf32>,
    %get3A_296 = arith.constant 192 : index
    %get3A_297 = tpu.vector_load %arg9[%get3A_296] {strides = array<i32>} : memref<512xf32, #tpu.memory_space<vmem>>, vector<16xf32>,
    %get3A_298 = arith.constant 192 : index
    %get3A_299 = tpu.vector_load %arg10[%get3A_298] {strides = array<i32>} : memref<512xf32, #tpu.memory_space<vmem>>, vector<16xf32>,
    %add3A_300 = arith.addf %get3A_297, %get3A_299 : vector<16xf32>
    %neg3A_301 = arith.constant 0.000000e+00 : f32
    %neg3A_302 = vector.broadcast %neg3A_301 : f32 to vector<16xf32>
    %neg3A_303 = arith.subf %neg3A_302, %add3A_300 : vector<16xf32>
    %exp3A_304 = math.exp %neg3A_303 : vector<16xf32>
    %add3A_305 = arith.constant 1.000000e+00 : f32
    %add3A_306 = vector.broadcast %add3A_305 : f32 to vector<16xf32>
    %add3A_307 = arith.addf %add3A_306, %exp3A_304 : vector<16xf32>
    %div3A_308 = arith.constant 1.000000e+00 : f32
    %div3A_309 = vector.broadcast %div3A_308 : f32 to vector<16xf32>
    %div3A_310 = arith.divf %div3A_309, %add3A_307 : vector<16xf32>
    %swap3A_311 = arith.constant 192 : index
    %swap3A_312 = tpu.vector_load %arg9[%swap3A_311] {strides = array<i32>} : memref<512xf32, #tpu.memory_space<vmem>>, vector<16xf32>,
    tpu.vector_store %arg9[%swap3A_311], %div3A_310 {strides = array<i32>} : memref<512xf32, #tpu.memory_space<vmem>>, vector<16xf32>,
    %get3A_313 = arith.constant 208 : index
    %get3A_314 = tpu.vector_load %arg9[%get3A_313] {strides = array<i32>} : memref<512xf32, #tpu.memory_space<vmem>>, vector<16xf32>,
    %get3A_315 = arith.constant 208 : index
    %get3A_316 = tpu.vector_load %arg10[%get3A_315] {strides = array<i32>} : memref<512xf32, #tpu.memory_space<vmem>>, vector<16xf32>,
    %add3A_317 = arith.addf %get3A_314, %get3A_316 : vector<16xf32>
    %neg3A_318 = arith.constant 0.000000e+00 : f32
    %neg3A_319 = vector.broadcast %neg3A_318 : f32 to vector<16xf32>
    %neg3A_320 = arith.subf %neg3A_319, %add3A_317 : vector<16xf32>
    %exp3A_321 = math.exp %neg3A_320 : vector<16xf32>
    %add3A_322 = arith.constant 1.000000e+00 : f32
    %add3A_323 = vector.broadcast %add3A_322 : f32 to vector<16xf32>
    %add3A_324 = arith.addf %add3A_323, %exp3A_321 : vector<16xf32>
    %div3A_325 = arith.constant 1.000000e+00 : f32
    %div3A_326 = vector.broadcast %div3A_325 : f32 to vector<16xf32>
    %div3A_327 = arith.divf %div3A_326, %add3A_324 : vector<16xf32>
    %swap3A_328 = arith.constant 208 : index
    %swap3A_329 = tpu.vector_load %arg9[%swap3A_328] {strides = array<i32>} : memref<512xf32, #tpu.memory_space<vmem>>, vector<16xf32>,
    tpu.vector_store %arg9[%swap3A_328], %div3A_327 {strides = array<i32>} : memref<512xf32, #tpu.memory_space<vmem>>, vector<16xf32>,
    %get3A_330 = arith.constant 224 : index
    %get3A_331 = tpu.vector_load %arg9[%get3A_330] {strides = array<i32>} : memref<512xf32, #tpu.memory_space<vmem>>, vector<16xf32>,
    %get3A_332 = arith.constant 224 : index
    %get3A_333 = tpu.vector_load %arg10[%get3A_332] {strides = array<i32>} : memref<512xf32, #tpu.memory_space<vmem>>, vector<16xf32>,
    %add3A_334 = arith.addf %get3A_331, %get3A_333 : vector<16xf32>
    %neg3A_335 = arith.constant 0.000000e+00 : f32
    %neg3A_336 = vector.broadcast %neg3A_335 : f32 to vector<16xf32>
    %neg3A_337 = arith.subf %neg3A_336, %add3A_334 : vector<16xf32>
    %exp3A_338 = math.exp %neg3A_337 : vector<16xf32>
    %add3A_339 = arith.constant 1.000000e+00 : f32
    %add3A_340 = vector.broadcast %add3A_339 : f32 to vector<16xf32>
    %add3A_341 = arith.addf %add3A_340, %exp3A_338 : vector<16xf32>
    %div3A_342 = arith.constant 1.000000e+00 : f32
    %div3A_343 = vector.broadcast %div3A_342 : f32 to vector<16xf32>
    %div3A_344 = arith.divf %div3A_343, %add3A_341 : vector<16xf32>
    %swap3A_345 = arith.constant 224 : index
    %swap3A_346 = tpu.vector_load %arg9[%swap3A_345] {strides = array<i32>} : memref<512xf32, #tpu.memory_space<vmem>>, vector<16xf32>,
    tpu.vector_store %arg9[%swap3A_345], %div3A_344 {strides = array<i32>} : memref<512xf32, #tpu.memory_space<vmem>>, vector<16xf32>,
    %get3A_347 = arith.constant 240 : index
    %get3A_348 = tpu.vector_load %arg9[%get3A_347] {strides = array<i32>} : memref<512xf32, #tpu.memory_space<vmem>>, vector<16xf32>,
    %get3A_349 = arith.constant 240 : index
    %get3A_350 = tpu.vector_load %arg10[%get3A_349] {strides = array<i32>} : memref<512xf32, #tpu.memory_space<vmem>>, vector<16xf32>,
    %add3A_351 = arith.addf %get3A_348, %get3A_350 : vector<16xf32>
    %neg3A_352 = arith.constant 0.000000e+00 : f32
    %neg3A_353 = vector.broadcast %neg3A_352 : f32 to vector<16xf32>
    %neg3A_354 = arith.subf %neg3A_353, %add3A_351 : vector<16xf32>
    %exp3A_355 = math.exp %neg3A_354 : vector<16xf32>
    %add3A_356 = arith.constant 1.000000e+00 : f32
    %add3A_357 = vector.broadcast %add3A_356 : f32 to vector<16xf32>
    %add3A_358 = arith.addf %add3A_357, %exp3A_355 : vector<16xf32>
    %div3A_359 = arith.constant 1.000000e+00 : f32
    %div3A_360 = vector.broadcast %div3A_359 : f32 to vector<16xf32>
    %div3A_361 = arith.divf %div3A_360, %add3A_358 : vector<16xf32>
    %swap3A_362 = arith.constant 240 : index
    %swap3A_363 = tpu.vector_load %arg9[%swap3A_362] {strides = array<i32>} : memref<512xf32, #tpu.memory_space<vmem>>, vector<16xf32>,
    tpu.vector_store %arg9[%swap3A_362], %div3A_361 {strides = array<i32>} : memref<512xf32, #tpu.memory_space<vmem>>, vector<16xf32>,
    %get3A_364 = arith.constant 256 : index
    %get3A_365 = tpu.vector_load %arg9[%get3A_364] {strides = array<i32>} : memref<512xf32, #tpu.memory_space<vmem>>, vector<16xf32>,
    %get3A_366 = arith.constant 256 : index
    %get3A_367 = tpu.vector_load %arg10[%get3A_366] {strides = array<i32>} : memref<512xf32, #tpu.memory_space<vmem>>, vector<16xf32>,
    %add3A_368 = arith.addf %get3A_365, %get3A_367 : vector<16xf32>
    %neg3A_369 = arith.constant 0.000000e+00 : f32
    %neg3A_370 = vector.broadcast %neg3A_369 : f32 to vector<16xf32>
    %neg3A_371 = arith.subf %neg3A_370, %add3A_368 : vector<16xf32>
    %exp3A_372 = math.exp %neg3A_371 : vector<16xf32>
    %add3A_373 = arith.constant 1.000000e+00 : f32
    %add3A_374 = vector.broadcast %add3A_373 : f32 to vector<16xf32>
    %add3A_375 = arith.addf %add3A_374, %exp3A_372 : vector<16xf32>
    %div3A_376 = arith.constant 1.000000e+00 : f32
    %div3A_377 = vector.broadcast %div3A_376 : f32 to vector<16xf32>
    %div3A_378 = arith.divf %div3A_377, %add3A_375 : vector<16xf32>
    %swap3A_379 = arith.constant 256 : index
    %swap3A_380 = tpu.vector_load %arg9[%swap3A_379] {strides = array<i32>} : memref<512xf32, #tpu.memory_space<vmem>>, vector<16xf32>,
    tpu.vector_store %arg9[%swap3A_379], %div3A_378 {strides = array<i32>} : memref<512xf32, #tpu.memory_space<vmem>>, vector<16xf32>,
    %get3A_381 = arith.constant 272 : index
    %get3A_382 = tpu.vector_load %arg9[%get3A_381] {strides = array<i32>} : memref<512xf32, #tpu.memory_space<vmem>>, vector<16xf32>,
    %get3A_383 = arith.constant 272 : index
    %get3A_384 = tpu.vector_load %arg10[%get3A_383] {strides = array<i32>} : memref<512xf32, #tpu.memory_space<vmem>>, vector<16xf32>,
    %add3A_385 = arith.addf %get3A_382, %get3A_384 : vector<16xf32>
    %neg3A_386 = arith.constant 0.000000e+00 : f32
    %neg3A_387 = vector.broadcast %neg3A_386 : f32 to vector<16xf32>
    %neg3A_388 = arith.subf %neg3A_387, %add3A_385 : vector<16xf32>
    %exp3A_389 = math.exp %neg3A_388 : vector<16xf32>
    %add3A_390 = arith.constant 1.000000e+00 : f32
    %add3A_391 = vector.broadcast %add3A_390 : f32 to vector<16xf32>
    %add3A_392 = arith.addf %add3A_391, %exp3A_389 : vector<16xf32>
    %div3A_393 = arith.constant 1.000000e+00 : f32
    %div3A_394 = vector.broadcast %div3A_393 : f32 to vector<16xf32>
    %div3A_395 = arith.divf %div3A_394, %add3A_392 : vector<16xf32>
    %swap3A_396 = arith.constant 272 : index
    %swap3A_397 = tpu.vector_load %arg9[%swap3A_396] {strides = array<i32>} : memref<512xf32, #tpu.memory_space<vmem>>, vector<16xf32>,
    tpu.vector_store %arg9[%swap3A_396], %div3A_395 {strides = array<i32>} : memref<512xf32, #tpu.memory_space<vmem>>, vector<16xf32>,
    %get3A_398 = arith.constant 288 : index
    %get3A_399 = tpu.vector_load %arg9[%get3A_398] {strides = array<i32>} : memref<512xf32, #tpu.memory_space<vmem>>, vector<16xf32>,
    %get3A_400 = arith.constant 288 : index
    %get3A_401 = tpu.vector_load %arg10[%get3A_400] {strides = array<i32>} : memref<512xf32, #tpu.memory_space<vmem>>, vector<16xf32>,
    %add3A_402 = arith.addf %get3A_399, %get3A_401 : vector<16xf32>
    %neg3A_403 = arith.constant 0.000000e+00 : f32
    %neg3A_404 = vector.broadcast %neg3A_403 : f32 to vector<16xf32>
    %neg3A_405 = arith.subf %neg3A_404, %add3A_402 : vector<16xf32>
    %exp3A_406 = math.exp %neg3A_405 : vector<16xf32>
    %add3A_407 = arith.constant 1.000000e+00 : f32
    %add3A_408 = vector.broadcast %add3A_407 : f32 to vector<16xf32>
    %add3A_409 = arith.addf %add3A_408, %exp3A_406 : vector<16xf32>
    %div3A_410 = arith.constant 1.000000e+00 : f32
    %div3A_411 = vector.broadcast %div3A_410 : f32 to vector<16xf32>
    %div3A_412 = arith.divf %div3A_411, %add3A_409 : vector<16xf32>
    %swap3A_413 = arith.constant 288 : index
    %swap3A_414 = tpu.vector_load %arg9[%swap3A_413] {strides = array<i32>} : memref<512xf32, #tpu.memory_space<vmem>>, vector<16xf32>,
    tpu.vector_store %arg9[%swap3A_413], %div3A_412 {strides = array<i32>} : memref<512xf32, #tpu.memory_space<vmem>>, vector<16xf32>,
    %get3A_415 = arith.constant 304 : index
    %get3A_416 = tpu.vector_load %arg9[%get3A_415] {strides = array<i32>} : memref<512xf32, #tpu.memory_space<vmem>>, vector<16xf32>,
    %get3A_417 = arith.constant 304 : index
    %get3A_418 = tpu.vector_load %arg10[%get3A_417] {strides = array<i32>} : memref<512xf32, #tpu.memory_space<vmem>>, vector<16xf32>,
    %add3A_419 = arith.addf %get3A_416, %get3A_418 : vector<16xf32>
    %neg3A_420 = arith.constant 0.000000e+00 : f32
    %neg3A_421 = vector.broadcast %neg3A_420 : f32 to vector<16xf32>
    %neg3A_422 = arith.subf %neg3A_421, %add3A_419 : vector<16xf32>
    %exp3A_423 = math.exp %neg3A_422 : vector<16xf32>
    %add3A_424 = arith.constant 1.000000e+00 : f32
    %add3A_425 = vector.broadcast %add3A_424 : f32 to vector<16xf32>
    %add3A_426 = arith.addf %add3A_425, %exp3A_423 : vector<16xf32>
    %div3A_427 = arith.constant 1.000000e+00 : f32
    %div3A_428 = vector.broadcast %div3A_427 : f32 to vector<16xf32>
    %div3A_429 = arith.divf %div3A_428, %add3A_426 : vector<16xf32>
    %swap3A_430 = arith.constant 304 : index
    %swap3A_431 = tpu.vector_load %arg9[%swap3A_430] {strides = array<i32>} : memref<512xf32, #tpu.memory_space<vmem>>, vector<16xf32>,
    tpu.vector_store %arg9[%swap3A_430], %div3A_429 {strides = array<i32>} : memref<512xf32, #tpu.memory_space<vmem>>, vector<16xf32>,
    %get3A_432 = arith.constant 320 : index
    %get3A_433 = tpu.vector_load %arg9[%get3A_432] {strides = array<i32>} : memref<512xf32, #tpu.memory_space<vmem>>, vector<16xf32>,
    %get3A_434 = arith.constant 320 : index
    %get3A_435 = tpu.vector_load %arg10[%get3A_434] {strides = array<i32>} : memref<512xf32, #tpu.memory_space<vmem>>, vector<16xf32>,
    %add3A_436 = arith.addf %get3A_433, %get3A_435 : vector<16xf32>
    %neg3A_437 = arith.constant 0.000000e+00 : f32
    %neg3A_438 = vector.broadcast %neg3A_437 : f32 to vector<16xf32>
    %neg3A_439 = arith.subf %neg3A_438, %add3A_436 : vector<16xf32>
    %exp3A_440 = math.exp %neg3A_439 : vector<16xf32>
    %add3A_441 = arith.constant 1.000000e+00 : f32
    %add3A_442 = vector.broadcast %add3A_441 : f32 to vector<16xf32>
    %add3A_443 = arith.addf %add3A_442, %exp3A_440 : vector<16xf32>
    %div3A_444 = arith.constant 1.000000e+00 : f32
    %div3A_445 = vector.broadcast %div3A_444 : f32 to vector<16xf32>
    %div3A_446 = arith.divf %div3A_445, %add3A_443 : vector<16xf32>
    %swap3A_447 = arith.constant 320 : index
    %swap3A_448 = tpu.vector_load %arg9[%swap3A_447] {strides = array<i32>} : memref<512xf32, #tpu.memory_space<vmem>>, vector<16xf32>,
    tpu.vector_store %arg9[%swap3A_447], %div3A_446 {strides = array<i32>} : memref<512xf32, #tpu.memory_space<vmem>>, vector<16xf32>,
    %get3A_449 = arith.constant 336 : index
    %get3A_450 = tpu.vector_load %arg9[%get3A_449] {strides = array<i32>} : memref<512xf32, #tpu.memory_space<vmem>>, vector<16xf32>,
    %get3A_451 = arith.constant 336 : index
    %get3A_452 = tpu.vector_load %arg10[%get3A_451] {strides = array<i32>} : memref<512xf32, #tpu.memory_space<vmem>>, vector<16xf32>,
    %add3A_453 = arith.addf %get3A_450, %get3A_452 : vector<16xf32>
    %neg3A_454 = arith.constant 0.000000e+00 : f32
    %neg3A_455 = vector.broadcast %neg3A_454 : f32 to vector<16xf32>
    %neg3A_456 = arith.subf %neg3A_455, %add3A_453 : vector<16xf32>
    %exp3A_457 = math.exp %neg3A_456 : vector<16xf32>
    %add3A_458 = arith.constant 1.000000e+00 : f32
    %add3A_459 = vector.broadcast %add3A_458 : f32 to vector<16xf32>
    %add3A_460 = arith.addf %add3A_459, %exp3A_457 : vector<16xf32>
    %div3A_461 = arith.constant 1.000000e+00 : f32
    %div3A_462 = vector.broadcast %div3A_461 : f32 to vector<16xf32>
    %div3A_463 = arith.divf %div3A_462, %add3A_460 : vector<16xf32>
    %swap3A_464 = arith.constant 336 : index
    %swap3A_465 = tpu.vector_load %arg9[%swap3A_464] {strides = array<i32>} : memref<512xf32, #tpu.memory_space<vmem>>, vector<16xf32>,
    tpu.vector_store %arg9[%swap3A_464], %div3A_463 {strides = array<i32>} : memref<512xf32, #tpu.memory_space<vmem>>, vector<16xf32>,
    %get3A_466 = arith.constant 352 : index
    %get3A_467 = tpu.vector_load %arg9[%get3A_466] {strides = array<i32>} : memref<512xf32, #tpu.memory_space<vmem>>, vector<16xf32>,
    %get3A_468 = arith.constant 352 : index
    %get3A_469 = tpu.vector_load %arg10[%get3A_468] {strides = array<i32>} : memref<512xf32, #tpu.memory_space<vmem>>, vector<16xf32>,
    %add3A_470 = arith.addf %get3A_467, %get3A_469 : vector<16xf32>
    %neg3A_471 = arith.constant 0.000000e+00 : f32
    %neg3A_472 = vector.broadcast %neg3A_471 : f32 to vector<16xf32>
    %neg3A_473 = arith.subf %neg3A_472, %add3A_470 : vector<16xf32>
    %exp3A_474 = math.exp %neg3A_473 : vector<16xf32>
    %add3A_475 = arith.constant 1.000000e+00 : f32
    %add3A_476 = vector.broadcast %add3A_475 : f32 to vector<16xf32>
    %add3A_477 = arith.addf %add3A_476, %exp3A_474 : vector<16xf32>
    %div3A_478 = arith.constant 1.000000e+00 : f32
    %div3A_479 = vector.broadcast %div3A_478 : f32 to vector<16xf32>
    %div3A_480 = arith.divf %div3A_479, %add3A_477 : vector<16xf32>
    %swap3A_481 = arith.constant 352 : index
    %swap3A_482 = tpu.vector_load %arg9[%swap3A_481] {strides = array<i32>} : memref<512xf32, #tpu.memory_space<vmem>>, vector<16xf32>,
    tpu.vector_store %arg9[%swap3A_481], %div3A_480 {strides = array<i32>} : memref<512xf32, #tpu.memory_space<vmem>>, vector<16xf32>,
    %get3A_483 = arith.constant 368 : index
    %get3A_484 = tpu.vector_load %arg9[%get3A_483] {strides = array<i32>} : memref<512xf32, #tpu.memory_space<vmem>>, vector<16xf32>,
    %get3A_485 = arith.constant 368 : index
    %get3A_486 = tpu.vector_load %arg10[%get3A_485] {strides = array<i32>} : memref<512xf32, #tpu.memory_space<vmem>>, vector<16xf32>,
    %add3A_487 = arith.addf %get3A_484, %get3A_486 : vector<16xf32>
    %neg3A_488 = arith.constant 0.000000e+00 : f32
    %neg3A_489 = vector.broadcast %neg3A_488 : f32 to vector<16xf32>
    %neg3A_490 = arith.subf %neg3A_489, %add3A_487 : vector<16xf32>
    %exp3A_491 = math.exp %neg3A_490 : vector<16xf32>
    %add3A_492 = arith.constant 1.000000e+00 : f32
    %add3A_493 = vector.broadcast %add3A_492 : f32 to vector<16xf32>
    %add3A_494 = arith.addf %add3A_493, %exp3A_491 : vector<16xf32>
    %div3A_495 = arith.constant 1.000000e+00 : f32
    %div3A_496 = vector.broadcast %div3A_495 : f32 to vector<16xf32>
    %div3A_497 = arith.divf %div3A_496, %add3A_494 : vector<16xf32>
    %swap3A_498 = arith.constant 368 : index
    %swap3A_499 = tpu.vector_load %arg9[%swap3A_498] {strides = array<i32>} : memref<512xf32, #tpu.memory_space<vmem>>, vector<16xf32>,
    tpu.vector_store %arg9[%swap3A_498], %div3A_497 {strides = array<i32>} : memref<512xf32, #tpu.memory_space<vmem>>, vector<16xf32>,
    %get3A_500 = arith.constant 384 : index
    %get3A_501 = tpu.vector_load %arg9[%get3A_500] {strides = array<i32>} : memref<512xf32, #tpu.memory_space<vmem>>, vector<16xf32>,
    %get3A_502 = arith.constant 384 : index
    %get3A_503 = tpu.vector_load %arg10[%get3A_502] {strides = array<i32>} : memref<512xf32, #tpu.memory_space<vmem>>, vector<16xf32>,
    %add3A_504 = arith.addf %get3A_501, %get3A_503 : vector<16xf32>
    %neg3A_505 = arith.constant 0.000000e+00 : f32
    %neg3A_506 = vector.broadcast %neg3A_505 : f32 to vector<16xf32>
    %neg3A_507 = arith.subf %neg3A_506, %add3A_504 : vector<16xf32>
    %exp3A_508 = math.exp %neg3A_507 : vector<16xf32>
    %add3A_509 = arith.constant 1.000000e+00 : f32
    %add3A_510 = vector.broadcast %add3A_509 : f32 to vector<16xf32>
    %add3A_511 = arith.addf %add3A_510, %exp3A_508 : vector<16xf32>
    %div3A_512 = arith.constant 1.000000e+00 : f32
    %div3A_513 = vector.broadcast %div3A_512 : f32 to vector<16xf32>
    %div3A_514 = arith.divf %div3A_513, %add3A_511 : vector<16xf32>
    %swap3A_515 = arith.constant 384 : index
    %swap3A_516 = tpu.vector_load %arg9[%swap3A_515] {strides = array<i32>} : memref<512xf32, #tpu.memory_space<vmem>>, vector<16xf32>,
    tpu.vector_store %arg9[%swap3A_515], %div3A_514 {strides = array<i32>} : memref<512xf32, #tpu.memory_space<vmem>>, vector<16xf32>,
    %get3A_517 = arith.constant 400 : index
    %get3A_518 = tpu.vector_load %arg9[%get3A_517] {strides = array<i32>} : memref<512xf32, #tpu.memory_space<vmem>>, vector<16xf32>,
    %get3A_519 = arith.constant 400 : index
    %get3A_520 = tpu.vector_load %arg10[%get3A_519] {strides = array<i32>} : memref<512xf32, #tpu.memory_space<vmem>>, vector<16xf32>,
    %add3A_521 = arith.addf %get3A_518, %get3A_520 : vector<16xf32>
    %neg3A_522 = arith.constant 0.000000e+00 : f32
    %neg3A_523 = vector.broadcast %neg3A_522 : f32 to vector<16xf32>
    %neg3A_524 = arith.subf %neg3A_523, %add3A_521 : vector<16xf32>
    %exp3A_525 = math.exp %neg3A_524 : vector<16xf32>
    %add3A_526 = arith.constant 1.000000e+00 : f32
    %add3A_527 = vector.broadcast %add3A_526 : f32 to vector<16xf32>
    %add3A_528 = arith.addf %add3A_527, %exp3A_525 : vector<16xf32>
    %div3A_529 = arith.constant 1.000000e+00 : f32
    %div3A_530 = vector.broadcast %div3A_529 : f32 to vector<16xf32>
    %div3A_531 = arith.divf %div3A_530, %add3A_528 : vector<16xf32>
    %swap3A_532 = arith.constant 400 : index
    %swap3A_533 = tpu.vector_load %arg9[%swap3A_532] {strides = array<i32>} : memref<512xf32, #tpu.memory_space<vmem>>, vector<16xf32>,
    tpu.vector_store %arg9[%swap3A_532], %div3A_531 {strides = array<i32>} : memref<512xf32, #tpu.memory_space<vmem>>, vector<16xf32>,
    %get3A_534 = arith.constant 416 : index
    %get3A_535 = tpu.vector_load %arg9[%get3A_534] {strides = array<i32>} : memref<512xf32, #tpu.memory_space<vmem>>, vector<16xf32>,
    %get3A_536 = arith.constant 416 : index
    %get3A_537 = tpu.vector_load %arg10[%get3A_536] {strides = array<i32>} : memref<512xf32, #tpu.memory_space<vmem>>, vector<16xf32>,
    %add3A_538 = arith.addf %get3A_535, %get3A_537 : vector<16xf32>
    %neg3A_539 = arith.constant 0.000000e+00 : f32
    %neg3A_540 = vector.broadcast %neg3A_539 : f32 to vector<16xf32>
    %neg3A_541 = arith.subf %neg3A_540, %add3A_538 : vector<16xf32>
    %exp3A_542 = math.exp %neg3A_541 : vector<16xf32>
    %add3A_543 = arith.constant 1.000000e+00 : f32
    %add3A_544 = vector.broadcast %add3A_543 : f32 to vector<16xf32>
    %add3A_545 = arith.addf %add3A_544, %exp3A_542 : vector<16xf32>
    %div3A_546 = arith.constant 1.000000e+00 : f32
    %div3A_547 = vector.broadcast %div3A_546 : f32 to vector<16xf32>
    %div3A_548 = arith.divf %div3A_547, %add3A_545 : vector<16xf32>
    %swap3A_549 = arith.constant 416 : index
    %swap3A_550 = tpu.vector_load %arg9[%swap3A_549] {strides = array<i32>} : memref<512xf32, #tpu.memory_space<vmem>>, vector<16xf32>,
    tpu.vector_store %arg9[%swap3A_549], %div3A_548 {strides = array<i32>} : memref<512xf32, #tpu.memory_space<vmem>>, vector<16xf32>,
    %get3A_551 = arith.constant 432 : index
    %get3A_552 = tpu.vector_load %arg9[%get3A_551] {strides = array<i32>} : memref<512xf32, #tpu.memory_space<vmem>>, vector<16xf32>,
    %get3A_553 = arith.constant 432 : index
    %get3A_554 = tpu.vector_load %arg10[%get3A_553] {strides = array<i32>} : memref<512xf32, #tpu.memory_space<vmem>>, vector<16xf32>,
    %add3A_555 = arith.addf %get3A_552, %get3A_554 : vector<16xf32>
    %neg3A_556 = arith.constant 0.000000e+00 : f32
    %neg3A_557 = vector.broadcast %neg3A_556 : f32 to vector<16xf32>
    %neg3A_558 = arith.subf %neg3A_557, %add3A_555 : vector<16xf32>
    %exp3A_559 = math.exp %neg3A_558 : vector<16xf32>
    %add3A_560 = arith.constant 1.000000e+00 : f32
    %add3A_561 = vector.broadcast %add3A_560 : f32 to vector<16xf32>
    %add3A_562 = arith.addf %add3A_561, %exp3A_559 : vector<16xf32>
    %div3A_563 = arith.constant 1.000000e+00 : f32
    %div3A_564 = vector.broadcast %div3A_563 : f32 to vector<16xf32>
    %div3A_565 = arith.divf %div3A_564, %add3A_562 : vector<16xf32>
    %swap3A_566 = arith.constant 432 : index
    %swap3A_567 = tpu.vector_load %arg9[%swap3A_566] {strides = array<i32>} : memref<512xf32, #tpu.memory_space<vmem>>, vector<16xf32>,
    tpu.vector_store %arg9[%swap3A_566], %div3A_565 {strides = array<i32>} : memref<512xf32, #tpu.memory_space<vmem>>, vector<16xf32>,
    %get3A_568 = arith.constant 448 : index
    %get3A_569 = tpu.vector_load %arg9[%get3A_568] {strides = array<i32>} : memref<512xf32, #tpu.memory_space<vmem>>, vector<16xf32>,
    %get3A_570 = arith.constant 448 : index
    %get3A_571 = tpu.vector_load %arg10[%get3A_570] {strides = array<i32>} : memref<512xf32, #tpu.memory_space<vmem>>, vector<16xf32>,
    %add3A_572 = arith.addf %get3A_569, %get3A_571 : vector<16xf32>
    %neg3A_573 = arith.constant 0.000000e+00 : f32
    %neg3A_574 = vector.broadcast %neg3A_573 : f32 to vector<16xf32>
    %neg3A_575 = arith.subf %neg3A_574, %add3A_572 : vector<16xf32>
    %exp3A_576 = math.exp %neg3A_575 : vector<16xf32>
    %add3A_577 = arith.constant 1.000000e+00 : f32
    %add3A_578 = vector.broadcast %add3A_577 : f32 to vector<16xf32>
    %add3A_579 = arith.addf %add3A_578, %exp3A_576 : vector<16xf32>
    %div3A_580 = arith.constant 1.000000e+00 : f32
    %div3A_581 = vector.broadcast %div3A_580 : f32 to vector<16xf32>
    %div3A_582 = arith.divf %div3A_581, %add3A_579 : vector<16xf32>
    %swap3A_583 = arith.constant 448 : index
    %swap3A_584 = tpu.vector_load %arg9[%swap3A_583] {strides = array<i32>} : memref<512xf32, #tpu.memory_space<vmem>>, vector<16xf32>,
    tpu.vector_store %arg9[%swap3A_583], %div3A_582 {strides = array<i32>} : memref<512xf32, #tpu.memory_space<vmem>>, vector<16xf32>,
    %get3A_585 = arith.constant 464 : index
    %get3A_586 = tpu.vector_load %arg9[%get3A_585] {strides = array<i32>} : memref<512xf32, #tpu.memory_space<vmem>>, vector<16xf32>,
    %get3A_587 = arith.constant 464 : index
    %get3A_588 = tpu.vector_load %arg10[%get3A_587] {strides = array<i32>} : memref<512xf32, #tpu.memory_space<vmem>>, vector<16xf32>,
    %add3A_589 = arith.addf %get3A_586, %get3A_588 : vector<16xf32>
    %neg3A_590 = arith.constant 0.000000e+00 : f32
    %neg3A_591 = vector.broadcast %neg3A_590 : f32 to vector<16xf32>
    %neg3A_592 = arith.subf %neg3A_591, %add3A_589 : vector<16xf32>
    %exp3A_593 = math.exp %neg3A_592 : vector<16xf32>
    %add3A_594 = arith.constant 1.000000e+00 : f32
    %add3A_595 = vector.broadcast %add3A_594 : f32 to vector<16xf32>
    %add3A_596 = arith.addf %add3A_595, %exp3A_593 : vector<16xf32>
    %div3A_597 = arith.constant 1.000000e+00 : f32
    %div3A_598 = vector.broadcast %div3A_597 : f32 to vector<16xf32>
    %div3A_599 = arith.divf %div3A_598, %add3A_596 : vector<16xf32>
    %swap3A_600 = arith.constant 464 : index
    %swap3A_601 = tpu.vector_load %arg9[%swap3A_600] {strides = array<i32>} : memref<512xf32, #tpu.memory_space<vmem>>, vector<16xf32>,
    tpu.vector_store %arg9[%swap3A_600], %div3A_599 {strides = array<i32>} : memref<512xf32, #tpu.memory_space<vmem>>, vector<16xf32>,
    %get3A_602 = arith.constant 480 : index
    %get3A_603 = tpu.vector_load %arg9[%get3A_602] {strides = array<i32>} : memref<512xf32, #tpu.memory_space<vmem>>, vector<16xf32>,
    %get3A_604 = arith.constant 480 : index
    %get3A_605 = tpu.vector_load %arg10[%get3A_604] {strides = array<i32>} : memref<512xf32, #tpu.memory_space<vmem>>, vector<16xf32>,
    %add3A_606 = arith.addf %get3A_603, %get3A_605 : vector<16xf32>
    %neg3A_607 = arith.constant 0.000000e+00 : f32
    %neg3A_608 = vector.broadcast %neg3A_607 : f32 to vector<16xf32>
    %neg3A_609 = arith.subf %neg3A_608, %add3A_606 : vector<16xf32>
    %exp3A_610 = math.exp %neg3A_609 : vector<16xf32>
    %add3A_611 = arith.constant 1.000000e+00 : f32
    %add3A_612 = vector.broadcast %add3A_611 : f32 to vector<16xf32>
    %add3A_613 = arith.addf %add3A_612, %exp3A_610 : vector<16xf32>
    %div3A_614 = arith.constant 1.000000e+00 : f32
    %div3A_615 = vector.broadcast %div3A_614 : f32 to vector<16xf32>
    %div3A_616 = arith.divf %div3A_615, %add3A_613 : vector<16xf32>
    %swap3A_617 = arith.constant 480 : index
    %swap3A_618 = tpu.vector_load %arg9[%swap3A_617] {strides = array<i32>} : memref<512xf32, #tpu.memory_space<vmem>>, vector<16xf32>,
    tpu.vector_store %arg9[%swap3A_617], %div3A_616 {strides = array<i32>} : memref<512xf32, #tpu.memory_space<vmem>>, vector<16xf32>,
    %get3A_619 = arith.constant 496 : index
    %get3A_620 = tpu.vector_load %arg9[%get3A_619] {strides = array<i32>} : memref<512xf32, #tpu.memory_space<vmem>>, vector<16xf32>,
    %get3A_621 = arith.constant 496 : index
    %get3A_622 = tpu.vector_load %arg10[%get3A_621] {strides = array<i32>} : memref<512xf32, #tpu.memory_space<vmem>>, vector<16xf32>,
    %add3A_623 = arith.addf %get3A_620, %get3A_622 : vector<16xf32>
    %neg3A_624 = arith.constant 0.000000e+00 : f32
    %neg3A_625 = vector.broadcast %neg3A_624 : f32 to vector<16xf32>
    %neg3A_626 = arith.subf %neg3A_625, %add3A_623 : vector<16xf32>
    %exp3A_627 = math.exp %neg3A_626 : vector<16xf32>
    %add3A_628 = arith.constant 1.000000e+00 : f32
    %add3A_629 = vector.broadcast %add3A_628 : f32 to vector<16xf32>
    %add3A_630 = arith.addf %add3A_629, %exp3A_627 : vector<16xf32>
    %div3A_631 = arith.constant 1.000000e+00 : f32
    %div3A_632 = vector.broadcast %div3A_631 : f32 to vector<16xf32>
    %div3A_633 = arith.divf %div3A_632, %add3A_630 : vector<16xf32>
    %swap3A_634 = arith.constant 496 : index
    %swap3A_635 = tpu.vector_load %arg9[%swap3A_634] {strides = array<i32>} : memref<512xf32, #tpu.memory_space<vmem>>, vector<16xf32>,
    tpu.vector_store %arg9[%swap3A_634], %div3A_633 {strides = array<i32>} : memref<512xf32, #tpu.memory_space<vmem>>, vector<16xf32>,
    "tpu.region"() ({
      %run_scoped3A = tpu.sem_alloc : memref<!tpu.dma_semaphore, #tpu.memory_space<semaphore_mem>>
      %dma_start3A_636 = tpu.memref_slice %arg6[%mul3A_2] : memref<16384xf32, #tpu.memory_space<hbm>> -> memref<512xf32, #tpu.memory_space<hbm>>
      %dma_start3A_637 = tpu.memref_slice %arg6[%mul3A_2] : memref<16384xf32, #tpu.memory_space<hbm>> -> memref<512xf32, #tpu.memory_space<hbm>>
      tpu.enqueue_dma source(%arg9 : memref<512xf32, #tpu.memory_space<vmem>>) target(%dma_start3A_637 : memref<512xf32, #tpu.memory_space<hbm>>) target_semaphore(%run_scoped3A : memref<!tpu.dma_semaphore, #tpu.memory_space<semaphore_mem>>)
      %dma_wait3A_638 = tpu.memref_slice %arg6[%mul3A_2] : memref<16384xf32, #tpu.memory_space<hbm>> -> memref<512xf32, #tpu.memory_space<hbm>>
      %dma_wait3A_639 = tpu.memref_slice %arg6[%mul3A_2] : memref<16384xf32, #tpu.memory_space<hbm>> -> memref<512xf32, #tpu.memory_space<hbm>>
      tpu.wait_dma2 semaphore(%run_scoped3A : memref<!tpu.dma_semaphore, #tpu.memory_space<semaphore_mem>>) src(%arg9 : memref<512xf32, #tpu.memory_space<vmem>>) dst(%dma_wait3A_639 : memref<512xf32, #tpu.memory_space<hbm>>)
      tpu.yield
    }) : () -> ()
    return
  }
}

module attributes {stable_mosaic.version = 14 : i64} {
  func.func @_tc_body(%arg0: i32, %arg1: memref<80xf32, #tpu.memory_space<smem>>, %arg2: memref<2x32xf32, #tpu.memory_space<vmem>>, %arg3: memref<32x32768xf32, #tpu.memory_space<vmem>>, %arg4: memref<32x32768xf32, #tpu.memory_space<vmem>>, %arg5: memref<32768xf32, #tpu.memory_space<vmem>>, %arg6: memref<32768xf32, #tpu.memory_space<vmem>>) attributes {dimension_semantics = [#tpu.dimension_semantics<arbitrary>], iteration_bounds = array<i64: 31>, scalar_prefetch = 0 : i64, scratch_operands = 0 : i64, tpu.core_type = #tpu.core_type<tc>, window_params = [{transform_indices = @transform_0, window_bounds = array<i64: 80>}, {pipeline_mode = #tpu.pipeline_mode<synchronous>, transform_indices = @transform_1, window_bounds = array<i64: 2, 32>}, {transform_indices = @transform_2, window_bounds = array<i64: 32, 32768>}, {transform_indices = @transform_3, window_bounds = array<i64: 32, 32768>}, {transform_indices = @transform_4, window_bounds = array<i64: 32768>}, {transform_indices = @transform_5, window_bounds = array<i64: 32768>}]} {
    %get3A = arith.constant 0 : index
    %get3A_0 = arith.constant 0 : index
    %get3A_1 = vector.load %arg2[%get3A, %get3A_0] : memref<2x32xf32, #tpu.memory_space<vmem>>, vector<1x32xf32>
    %get3A_2 = arith.constant 0 : index
    %get3A_3 = arith.constant 0 : index
    %get3A_4 = vector.load %arg3[%get3A_2, %get3A_3] : memref<32x32768xf32, #tpu.memory_space<vmem>>, vector<32x32768xf32>
    %dot_general3A = arith.constant dense<0.000000e+00> : vector<1x32768xf32>
    %dot_general3A_5 = tpu.matmul %get3A_1, %get3A_4, %dot_general3A {dimension_numbers = #tpu.dot_dimension_numbers<[1], [0], [0], [1], [0, 0, 1, 1], [], []>, transpose_lhs_hint = false} : vector<1x32xf32>, vector<32x32768xf32>, vector<1x32768xf32> -> vector<1x32768xf32>
    %get3A_6 = arith.constant 1 : index
    %get3A_7 = arith.constant 0 : index
    %get3A_8 = vector.load %arg2[%get3A_6, %get3A_7] : memref<2x32xf32, #tpu.memory_space<vmem>>, vector<1x32xf32>
    %get3A_9 = arith.constant 0 : index
    %get3A_10 = arith.constant 0 : index
    %get3A_11 = vector.load %arg4[%get3A_9, %get3A_10] : memref<32x32768xf32, #tpu.memory_space<vmem>>, vector<32x32768xf32>
    %dot_general3A_12 = arith.constant dense<0.000000e+00> : vector<1x32768xf32>
    %dot_general3A_13 = tpu.matmul %get3A_8, %get3A_11, %dot_general3A_12 {dimension_numbers = #tpu.dot_dimension_numbers<[1], [0], [0], [1], [0, 0, 1, 1], [], []>, transpose_lhs_hint = false} : vector<1x32xf32>, vector<32x32768xf32>, vector<1x32768xf32> -> vector<1x32768xf32>
    %reshape3A = vector.shape_cast %dot_general3A_5 : vector<1x32768xf32> to vector<32768xf32>
    %get3A_14 = arith.constant 64 : index
    %get3A_15 = memref.load %arg1[%get3A_14] : memref<80xf32, #tpu.memory_space<smem>>
    %add3A = vector.broadcast %get3A_15 : f32 to vector<32768xf32>
    %add3A_16 = arith.addf %reshape3A, %add3A : vector<32768xf32>
    %swap3A = arith.constant 0 : index
    %swap3A_17 = vector.load %arg5[%swap3A] : memref<32768xf32, #tpu.memory_space<vmem>>, vector<32768xf32>
    tpu.vector_store %arg5[%swap3A], %add3A_16 {strides = array<i32>} : memref<32768xf32, #tpu.memory_space<vmem>>, vector<32768xf32>,
    %reshape3A_18 = vector.shape_cast %dot_general3A_13 : vector<1x32768xf32> to vector<32768xf32>
    %swap3A_19 = arith.constant 0 : index
    %swap3A_20 = vector.load %arg6[%swap3A_19] : memref<32768xf32, #tpu.memory_space<vmem>>, vector<32768xf32>
    tpu.vector_store %arg6[%swap3A_19], %reshape3A_18 {strides = array<i32>} : memref<32768xf32, #tpu.memory_space<vmem>>, vector<32768xf32>,
    return
  }
  func.func @transform_0(%arg0: i32) -> i32 {
    %c0_i32 = arith.constant 0 : i32
    %c0_i32_0 = arith.constant 0 : i32
    return %c0_i32 : i32
  }
  func.func @transform_1(%arg0: i32) -> (i32, i32) {
    %c0_i32 = arith.constant 0 : i32
    %c0_i32_0 = arith.constant 0 : i32
    %c0_i32_1 = arith.constant 0 : i32
    return %c0_i32, %c0_i32_0 : i32, i32
  }
  func.func @transform_2(%arg0: i32) -> (i32, i32) {
    %c0_i32 = arith.constant 0 : i32
    %c0_i32_0 = arith.constant 0 : i32
    return %c0_i32, %arg0 : i32, i32
  }
  func.func @transform_3(%arg0: i32) -> (i32, i32) {
    %c0_i32 = arith.constant 0 : i32
    %c0_i32_0 = arith.constant 0 : i32
    return %c0_i32, %arg0 : i32, i32
  }
  func.func @transform_4(%arg0: i32) -> i32 {
    %c0_i32 = arith.constant 0 : i32
    return %arg0 : i32
  }
  func.func @transform_5(%arg0: i32) -> i32 {
    %c0_i32 = arith.constant 0 : i32
    return %arg0 : i32
  }
}

</mosaic_0001>

<sc_bundles>
// kernel: kernel.4.cloned.1.call-start
scs
__scs_entry_jumppad:
0x0: {  	(pc) =	sbr.rel $0x88, $3  }
0x1: {  	(tag) =	ssettag $0x0;
	lr =	simm.s32 $0x1  }
0x2: {  	[smem:$0x3F9B] =	sst lr;
	_ =	strace $0xD0000000  }
0x3: {  	_ = 	snop  }
0x4: {  	_ = 	snop  }
0x5: {  	_ = 	snop  }
0x6: {  	_ = 	snop  }
0x7: {  	_ = 	snop  }
__scs_overlays_trampoline_lowered:
0x8: {  	[smem:$0x3FAA] =	sst s0  }
0x9: {  	[smem:$0x3FAB] =	sst s1  }
0xa: {  	[smem:$0x3FAC] =	sst s2  }
0xb: {  	[smem:$0x3FAD] =	sst s3  }
0xc: {  	[smem:$0x3FAE] =	sst s4  }
0xd: {  	[smem:$0x3FAF] =	sst s5  }
0xe: {  	[smem:$0x3FB0] =	sst s6  }
0xf: {  	[smem:$0x3FB1] =	sst s7  }
0x10: {  	[smem:$0x3FB2] =	sst s8  }
0x11: {  	[smem:$0x3FB3] =	sst s9;
	s0 =	simm.s32 @!p0 $0x0  }
0x12: {  	s1 =	sld [smem:$0x3F99];
	s0 =	simm.s32 @p0 $0x1  }
0x13: {  	[smem:$0x3FB4] =	sst s0;
	s0 =	simm.s32 @!p1 $0x0  }
0x14: {  	s2 =	sld [smem:$0x3F98];
	s0 =	simm.s32 @p1 $0x1  }
0x15: {  	[smem:$0x3FB5] =	sst s0;
	s0 =	simm.s32 @!p2 $0x0  }
0x16: {  	s3 =	sld [smem:$0x3FDB];
	s0 =	simm.s32 @p2 $0x1  }
0x17: {  	s4 =	simm.s32 $0x1BF5;
	[smem:$0x3FB7] =	sst s0  }
0x18: {  	s0 =	sld [smem:$0x3F9A];
	_ =	swait.ge [sflag:s4], $0x0  }
0x19: {  	s7 =	sld [smem:$0x3F9B]  }
0x1a: {  	s8 =	sadd.s32 $0xFFFFE003, lr  }
0x1b: {  	s9 =	sadd.s32 $0xFFFFFEF7, lr;
	s5 =	simm.s32 $0xFFFFFFFF;
	p2 =	slt.u32 s8, $0xFFFFF086  }
0x1c: {  	p1 =	slt.u32 s9, $0xF7A;
	s5 =	simm.s32 @!p2 $0x0  }
0x1d: {  	s5 =	simm.s32 @p1 $0x1;
	p0 =	seq.s32 s7, s2  }
0x1e: {  	s7 =	smul.u32 @!p0 $0xF7A, s2;
	p2 =	seq.s32 @!p0 s5, $0x0  }
0x1f: {  	s9 =	smul.u32 $0xF7A, s1;
	s8 =	simm.s32 @!p0 $0x1BF5;
	p2 =	por !p2, p0  }
0x20: {  	[sflag:s8] =	ssyncset.s32 @!p0 $0xFFFFF086;
	s6 =	sadd.s32 @!p0 s3, s7;
	s7 =	simm.s32 @!p0 $0x108  }
0x21: {  	s3 =	sadd.s32 s3, s9;
	s6 =	sadd.s32 @!p0 $0x88, s6;
	s7 =	simm.s32 @p2 $0x1082  }
0x22: {  	[simem:s7], [sflag:s8] =	dma.local @!p0 [hbm:s6], $0xF7A  }
0x23: {  	s9 =	sor.u32 $0xD0000000, s2;
	s6 =	simm.s32 $0x108;
	_ =	swait.ge @!p0 [sflag:s8], $0x0  }
0x24: {  	s3 =	sadd.s32 $0x88, s3;
	s6 =	simm.s32 @!p1 $0x1082;
	[sflag:s4] =	ssyncset.s32 $0xFFFFF086  }
0x25: {  	[simem:s6], [sflag:s4] =	dma.local [hbm:s3], $0xF7A  }
0x26: {  	[smem:$0x3F9B] =	sst s1;
	(tag) =	ssettag s2;
	_ =	strace s9  }
0x27: {  	s1 =	sld [smem:$0x3FAB]  }
0x28: {  	s2 =	sld [smem:$0x3FAC]  }
0x29: {  	s4 =	sld [smem:$0x3FAE]  }
0x2a: {  	p0 =	seq.s32 s5, $0x0;
	s5 =	sld [smem:$0x3FAF]  }
0x2b: {  	s6 =	sld [smem:$0x3FB0]  }
0x2c: {  	s7 =	sld [smem:$0x3FB1]  }
0x2d: {  	s3 =	simm.s32 $0x108;
	s8 =	sld [smem:$0x3FB2]  }
0x2e: {  	s3 =	simm.s32 @!p0 $0x1082;
	s9 =	sld [smem:$0x3FB3]  }
0x2f: {  	lr =	sadd.s32 s0, s3;
	s0 =	sld [smem:$0x3FAA]  }
0x30: {  	s3 =	sld [smem:$0x3FAD]  }
0x31: {  	[smem:$0x3FB6] =	sst s10  }
0x32: {  	s10 =	sld [smem:$0x3FB4];
	_ =	sdelay $0x3  }
0x33: {  	p0 =	seq.s32 s10, $0x1;
	s10 =	sld [smem:$0x3FB6];
	_ =	sdelay $0x3  }
0x34: {  	[smem:$0x3FB6] =	sst s10  }
0x35: {  	s10 =	sld [smem:$0x3FB5];
	_ =	sdelay $0x3  }
0x36: {  	p1 =	seq.s32 s10, $0x1;
	s10 =	sld [smem:$0x3FB6];
	_ =	sdelay $0x3  }
0x37: {  	[smem:$0x3FB6] =	sst s10  }
0x38: {  	s10 =	sld [smem:$0x3FB7]  }
0x39: {  	_ = 	snop;
	(pc) =	sbr.ind lr, $3  }
0x3a: {  	_ = 	snop  }
0x3b: {  	_ = 	snop  }
0x3c: {  	p2 =	seq.s32 s10, $0x1;
	s10 =	sld [smem:$0x3FB6]  }
0x3d: {  	_ =	shalt  }
0x3e: {  	_ =	shalt  }
0x3f: {  	_ =	shalt  }
0x40: {  	_ =	shalt  }
0x41: {  	_ =	shalt  }
0x42: {  	_ =	shalt  }
0x43: {  	_ =	shalt  }
0x44: {  	_ =	shalt  }
0x45: {  	_ =	shalt  }
0x46: {  	_ =	shalt  }
0x47: {  	_ =	shalt  }
0x48: {  	_ =	shalt  }
0x49: {  	_ =	shalt  }
0x4a: {  	_ =	shalt  }
0x4b: {  	_ =	shalt  }
0x4c: {  	_ =	shalt  }
0x4d: {  	_ =	shalt  }
0x4e: {  	_ =	shalt  }
0x4f: {  	_ =	shalt  }
0x50: {  	_ =	shalt  }
0x51: {  	_ =	shalt  }
0x52: {  	_ =	shalt  }
0x53: {  	_ =	shalt  }
0x54: {  	_ =	shalt  }
0x55: {  	_ =	shalt  }
0x56: {  	_ =	shalt  }
0x57: {  	_ =	shalt  }
0x58: {  	_ =	shalt  }
0x59: {  	_ =	shalt  }
0x5a: {  	_ =	shalt  }
0x5b: {  	_ =	shalt  }
0x5c: {  	_ =	shalt  }
0x5d: {  	_ =	shalt  }
0x5e: {  	_ =	shalt  }
0x5f: {  	_ =	shalt  }
0x60: {  	_ =	shalt  }
0x61: {  	_ =	shalt  }
0x62: {  	_ =	shalt  }
0x63: {  	_ =	shalt  }
0x64: {  	_ =	shalt  }
0x65: {  	_ =	shalt  }
0x66: {  	_ =	shalt  }
0x67: {  	_ =	shalt  }
0x68: {  	_ =	shalt  }
0x69: {  	_ =	shalt  }
0x6a: {  	_ =	shalt  }
0x6b: {  	_ =	shalt  }
0x6c: {  	_ =	shalt  }
0x6d: {  	_ =	shalt  }
0x6e: {  	_ =	shalt  }
0x6f: {  	_ =	shalt  }
0x70: {  	_ =	shalt  }
0x71: {  	_ =	shalt  }
0x72: {  	_ =	shalt  }
0x73: {  	_ =	shalt  }
0x74: {  	_ =	shalt  }
0x75: {  	_ =	shalt  }
0x76: {  	_ =	shalt  }
0x77: {  	_ =	shalt  }
0x78: {  	_ =	shalt  }
0x79: {  	_ =	shalt  }
0x7a: {  	_ =	shalt  }
0x7b: {  	_ =	shalt  }
0x7c: {  	_ =	shalt  }
0x7d: {  	_ =	shalt  }
0x7e: {  	_ =	shalt  }
0x7f: {  	_ =	shalt  }
0x80: {  	_ =	shalt  }
0x81: {  	_ =	shalt  }
0x82: {  	_ =	shalt  }
0x83: {  	_ =	shalt  }
0x84: {  	_ =	shalt  }
0x85: {  	_ =	shalt  }
0x86: {  	_ =	shalt  }
0x87: {  	_ =	shalt  }
.Lfunc_end0:
.L_simem_size_0:
called_computation_lowered:
.L_overlay_start_0:
0x88: {  	s2 =	sld [smem:$0x3FD9]  }
0x89: {  	s3 =	sld [smem:$0x3FFE];
	_ =	sdelay $0x1  }
0x8a: {  	s1 =	srdreg.scid  }
0x8b: {  	s0 =	sand.u32 $0x1, s1  }
0x8c: {  	s17 =	sshll.u32 s0, $0xA;
	s2 =	sadd.s32 s3, s2  }
0x8d: {  	s2 =	sadd.s32 s2, s17  }
0x8e: {  	[smem:$0x3FC2] =	sst s2  }
0x8f: {  	_ = 	snop  }
0x90: {  	s2 =	sld [smem:$0x3FC9]  }
0x91: {  	s18 =	sld [smem:$0x3FC8]  }
0x92: {  	s4 =	sld [smem:$0x3FD0];
	(tm) =	ssettm $0x1  }
0x93: {  	s5 =	sld [smem:$0x3FFB];
	_ =	sdelay $0x3  }
0x94: {  	_ =	strace s5  }
0x95: {  	s5 =	sld [smem:$0x3FFC];
	_ =	sdelay $0x3  }
0x96: {  	_ =	strace s5  }
0x97: {  	s5 =	sld [smem:$0x3FFD];
	_ =	sdelay $0x3  }
0x98: {  	_ =	strace s5  }
0x99: {  	_ =	strace $0x8FFFFFFF  }
0x9a: {  	s19 =	sld [smem:$0x3FDB];
	_ =	sdelay $0x1  }
0x9b: {  	s6 =	simm.s32 $_scs_section_size  }
0x9c: {  	s7 =	simm.s32 $_size__tile_overlayer_lowered;
	s8 =	simm.s32 $_tile_overlayer_lowered  }
0x9d: {  	s22 =	simm.s32 $0x1BFF;
	s21 =	sshll.u32 s8, $0x1;
	s5 =	sadd.s32 s6, s19  }
0x9e: {  	s9 =	simm.s32 $0x0;
	s20 =	sshll.u32 s7, $0x1;
	s7 =	sadd.s32 s21, s5  }
0x9f: {  	[timem:s9], [sflag:s22] =	dma.local [hbm:s7], s20  }
0xa0: {  	_ =	swait.ge [sflag:s22], s20  }
0xa1: {  	s6 =	ssub.s32 $0x0, s20;
	[sflag:s22] =	ssyncset.done $0x0  }
0xa2: {  	[sflag:s22] =	ssyncadd.s32 s6;
	_ =	sdelay $0x1  }
0xa3: {  	s23 =	simm.s32 $0x1B8B  }
0xa4: {  	_ =	swait.ge [sflag:s23], $0x1  }
0xa5: {  	[sflag:s23] =	ssyncset.done $0x0  }
0xa6: {  	s25 =	simm.s32 $0x1B8E;
	s24 =	sld [smem:$0x3FFE];
	[sflag:s23] =	ssyncadd.s32 $0xFFFFFFFF  }
0xa7: {  	s26 =	simm.s32 $execute0_lowered;
	[smem:$0x3FD2] =	sst s25  }
0xa8: {  	s7 =	sshll.u32 s26, $0x1;
	_ =	strace $0x80000046;
	[dreg:$0x1] =	wrdreg $0xFFFFFFFF  }
0xa9: {  	s28 =	simm.s32 $_size_execute0_lowered;
	s5 =	sadd.s32 s5, s7;
	[dreg:$0x0] =	wrdreg $0x0  }
0xaa: {  	s7 =	sshll.u32 s28, $0x1;
	[dreg:$0x2] =	wrdreg s5  }
0xab: {  	[dreg:$0x3] =	wrdreg s7  }
0xac: {  	[dreg:$0x4] =	wrdreg $0xC0  }
0xad: {  	_ =	task [dreg:s9], $0x5FFFF  }
0xae: {  	[dreg:$0x1] =	wrdreg $0xFFFFFFFF  }
0xaf: {  	[dreg:$0x0] =	wrdreg $0x60  }
0xb0: {  	[dreg:$0x2] =	wrdreg s2  }
0xb1: {  	[dreg:$0x3] =	wrdreg s18  }
0xb2: {  	[dreg:$0x4] =	wrdreg s24  }
0xb3: {  	[dreg:$0x5] =	wrdreg s4  }
0xb4: {  	[dreg:$0x6] =	wrdreg $0x9  }
0xb5: {  	_ =	task.clear_ibuf [dreg:s9], $0x7FFFF;
	_ =	strace $0x90000046  }
0xb6: {  	s29 =	simm.s32 $0x9;
	_ =	strace $0x80000048  }
0xb7: {  	_ =	swait.ge [sflag:s29], $0x1  }
0xb8: {  	[sflag:s29] =	ssyncadd.s32 $0xFFFFFFFF  }
0xb9: {  	_ =	strace $0x90000048  }
0xba: {  	_ =	sfence  }
0xbb: {  	s30 =	sld [smem:$0x0];
	_ =	sdelay $0x2  }
0xbc: {  	s31 =	sshll.u32 s1, $0xD;
	s1 =	sshrl.u32 s1, $0x2  }
0xbd: {  	s3 =	sand.u32 $0x4000, s31;
	s1 =	sadd.s32 s1, s30  }
0xbe: {  	s0 =	sor.u32 s3, s0;
	s1 =	sshll.u32 s1, $0x11  }
0xbf: {  	s0 =	sor.u32 s1, s0  }
0xc0: {  	s0 =	sadd.s32 $0x8F2B, s0  }
0xc1: {  	[sflag:s0] =	ssyncadd.remote.s32 $0x1  }
0xc2: {  	_ =	sfence.sel $0xFFFF  }
0xc3: {  	[dreg:$0x0] =	wrdreg $0xFFFFFFFF;
	(pc) =	sbr.abs _section_cstart, $3  }
0xc4: {  	[dreg:$0x1] =	wrdreg $0xFFFFFFFF  }
0xc5: {  	_ =	task.clear_ibuf [dreg:s9], $0x2FFFF;
	_ =	strace $0x9FFFFFFF  }
0xc6: {  	(tm) =	ssettm $0x7FFFFFFF  }
0xc7: {  	_ =	shalt  }
tec
execute0_lowered:
.L_overlay_start_1:
0x0: {  	(tag) =	ssettag $0x1  }
0x1: {  	s5 =	rddreg [dreg:$0x0]  }
0x2: {  	s6 =	rddreg [dreg:$0x1]  }
0x3: {  	s4 =	rddreg [dreg:$0x2]  }
0x4: {  	s7 =	rddreg [dreg:$0x3]  }
0x5: {  	s0 =	rddreg [dreg:$0x4];
	s1 =	simm.s32 $0x0;
	s2 =	srdreg.scid  }
0x6: {  	s12 =	simm.s32 $0x400;
	s13 =	simm.s32 $0x600;
	s14 =	simm.s32 $0x480  }
0x7: {  	s15 =	simm.s32 $0x280;
	s16 =	simm.s32 $0x680;
	s17 =	simm.s32 $0x100  }
0x8: {  	s18 =	simm.s32 $0x500;
	s19 =	simm.s32 $0x300;
	s20 =	simm.s32 $0x700  }
0x9: {  	s21 =	simm.s32 $0x180;
	s22 =	simm.s32 $0x580;
	s23 =	simm.s32 $0x380  }
0xa: {  	s24 =	simm.s32 $0x780;
	s25 =	simm.s32 $0x1;
	[smem:$0x7FF] =	sst s1  }
0xb: {  	s8 =	sand.u32 $0x1, s2;
	s3 =	sadd.s32 $0x600, s4;
	s2 =	stileid.u32  }
0xc: {  	s4 =	sadd.s32 $0x1F000, s4;
	_ =	strace $0x80000047;
	s9 =	ssub.s32 $0x2, s8  }
0xd: {  	s11 =	sshll.u32 s2, $0x7;
	s8 =	sshll.u32 s8, $0x6;
	s10 =	sshrl.u32 s9, $0x1  }
0xe: {  	s8 =	sor.u32 s8, s11;
	s11 =	simm.s32 $0x80;
	s9 =	ssub.s32 s9, s10  }
0xf: {  	s5 =	sadd.s32 s5, s8;
	s6 =	sadd.s32 s6, s8;
	s7 =	sadd.s32 s7, s8  }
0x10: {  	s10 =	simm.s32 $0x200;
	s8 =	smax.u32 s9, $0x1;
	s9 =	simm.s32 $0x2  }
.LBB2_1:
0x11: {  	[tilespmem:s1], [sflag:$0x2] =	stream.linear.gather [hbm4b:s5+s1], $0x200, $0x38;
	[tilespmem:$0x800] =	vst v63  }
0x12: {  	_ =	swait.ge [sflag:s9], $0x200  }
0x13: {  	[sflag:s9] =	ssyncset.done $0x0  }
0x14: {  	[sflag:s9] =	ssyncadd.s32 $0xFFFFFE00  }
0x15: {  	[tilespmem:s10], [sflag:$0x2] =	stream.linear.gather [hbm4b:s6+s1], $0x200, $0x38;
	[tilespmem:$0x800] =	vst v63  }
0x16: {  	_ =	swait.ge [sflag:s9], $0x200  }
0x17: {  	[sflag:s9] =	ssyncset.done $0x0  }
0x18: {  	[sflag:s9] =	ssyncadd.s32 $0xFFFFFE00  }
0x19: {  	[tilespmem:s12], [sflag:$0x1] =	stream.indirect.gather [hbm4b:s3+s11], $0x1, s1, s11, $0xb8;
	[tilespmem:$0x800] =	vst v63  }
0x1a: {  	_ = 	snop  }
0x1b: {  	[tilespmem:s13], [sflag:$0x1] =	stream.indirect.gather [hbm4b:s4+s11], $0x1, s10, s11, $0xb8;
	[tilespmem:$0x800] =	vst v63  }
0x1c: {  	_ = 	snop  }
0x1d: {  	[tilespmem:s14], [sflag:$0x1] =	stream.indirect.gather [hbm4b:s3+s11], $0x1, s11, s11, $0xb8;
	[tilespmem:$0x800] =	vst v63  }
0x1e: {  	_ = 	snop  }
0x1f: {  	[tilespmem:s16], [sflag:$0x1] =	stream.indirect.gather [hbm4b:s4+s11], $0x1, s15, s11, $0xb8;
	[tilespmem:$0x800] =	vst v63  }
0x20: {  	_ = 	snop  }
0x21: {  	[tilespmem:s18], [sflag:$0x1] =	stream.indirect.gather [hbm4b:s3+s11], $0x1, s17, s11, $0xb8;
	[tilespmem:$0x800] =	vst v63  }
0x22: {  	_ = 	snop  }
0x23: {  	[tilespmem:s20], [sflag:$0x1] =	stream.indirect.gather [hbm4b:s4+s11], $0x1, s19, s11, $0xb8;
	[tilespmem:$0x800] =	vst v63  }
0x24: {  	_ = 	snop  }
0x25: {  	[tilespmem:s22], [sflag:$0x1] =	stream.indirect.gather [hbm4b:s3+s11], $0x1, s21, s11, $0xb8;
	[tilespmem:$0x800] =	vst v63  }
0x26: {  	_ = 	snop  }
0x27: {  	[tilespmem:s24], [sflag:$0x1] =	stream.indirect.gather [hbm4b:s4+s11], $0x1, s23, s11, $0xb8;
	[tilespmem:$0x800] =	vst v63  }
0x28: {  	_ =	swait.ge [sflag:s25], $0x80  }
0x29: {  	[sflag:s25] =	ssyncset.done $0x0  }
0x2a: {  	[sflag:s25] =	ssyncadd.s32 $0xFFFFFF80  }
0x2b: {  	_ =	swait.ge [sflag:s25], $0x80  }
0x2c: {  	[sflag:s25] =	ssyncset.done $0x0  }
0x2d: {  	[sflag:s25] =	ssyncadd.s32 $0xFFFFFF80  }
0x2e: {  	_ =	swait.ge [sflag:s25], $0x80  }
0x2f: {  	[sflag:s25] =	ssyncset.done $0x0  }
0x30: {  	[sflag:s25] =	ssyncadd.s32 $0xFFFFFF80  }
0x31: {  	_ =	swait.ge [sflag:s25], $0x80  }
0x32: {  	[sflag:s25] =	ssyncset.done $0x0  }
0x33: {  	[sflag:s25] =	ssyncadd.s32 $0xFFFFFF80  }
0x34: {  	_ =	swait.ge [sflag:s25], $0x80  }
0x35: {  	[sflag:s25] =	ssyncset.done $0x0  }
0x36: {  	[sflag:s25] =	ssyncadd.s32 $0xFFFFFF80  }
0x37: {  	_ =	swait.ge [sflag:s25], $0x80  }
0x38: {  	[sflag:s25] =	ssyncset.done $0x0  }
0x39: {  	[sflag:s25] =	ssyncadd.s32 $0xFFFFFF80  }
0x3a: {  	_ =	swait.ge [sflag:s25], $0x80  }
0x3b: {  	[sflag:s25] =	ssyncset.done $0x0  }
0x3c: {  	[sflag:s25] =	ssyncadd.s32 $0xFFFFFF80  }
0x3d: {  	_ =	swait.ge [sflag:s25], $0x80  }
0x3e: {  	[sflag:s25] =	ssyncset.done $0x0  }
0x3f: {  	[sflag:s25] =	ssyncadd.s32 $0xFFFFFF80  }
0x40: {  	v0 =	vld [tilespmem:$0x400]  }
0x41: {  	v1 =	vld [tilespmem:$0x600];
	_ =	sdelay $0x4  }
0x42: {  	v0 =	vadd.f32 v1, v0;
	_ =	sdelay $0x1  }
0x43: {  	v0 =	vsub.f32 $0.0e+00, v0;
	_ =	sdelay $0x1  }
0x44: {  	v0 =	vmul.f32 $1.442695020e+00, v0;
	_ =	sdelay $0x1  }
0x45: {  	(erf) = vpow2.f32 v0  }
0x46: {  	v18 =	vld [tilespmem:$0x410]  }
0x47: {  	v19 =	vld [tilespmem:$0x610];
	_ =	sdelay $0x4  }
0x48: {  	v0 =	vadd.f32 v19, v18;
	_ =	sdelay $0x1  }
0x49: {  	v0 =	vsub.f32 $0.0e+00, v0;
	v20 =	vpop (erf)  }
0x4a: {  	v1 =	vadd.f32 $1.000000000e+00, v20  }
0x4b: {  	v0 =	vmul.f32 $1.442695020e+00, v0  }
0x4c: {  	(erf) = vrcp.f32 v1  }
0x4d: {  	(erf) = vpow2.f32 v0  }
0x4e: {  	v21 =	vld [tilespmem:$0x420]  }
0x4f: {  	v22 =	vld [tilespmem:$0x620];
	_ =	sdelay $0x4  }
0x50: {  	v1 =	vadd.f32 v22, v21  }
0x51: {  	v0 =	vpop (erf)  }
0x52: {  	v1 =	vsub.f32 $0.0e+00, v1;
	v2 =	vpop (erf)  }
0x53: {  	v2 =	vadd.f32 $1.000000000e+00, v2  }
0x54: {  	v1 =	vmul.f32 $1.442695020e+00, v1  }
0x55: {  	(erf) = vrcp.f32 v2  }
0x56: {  	(erf) = vpow2.f32 v1  }
0x57: {  	v23 =	vld [tilespmem:$0x430]  }
0x58: {  	v24 =	vld [tilespmem:$0x630];
	_ =	sdelay $0x4  }
0x59: {  	v2 =	vadd.f32 v24, v23  }
0x5a: {  	v1 =	vpop (erf)  }
0x5b: {  	v2 =	vsub.f32 $0.0e+00, v2;
	v3 =	vpop (erf)  }
0x5c: {  	v3 =	vadd.f32 $1.000000000e+00, v3  }
0x5d: {  	v2 =	vmul.f32 $1.442695020e+00, v2  }
0x5e: {  	(erf) = vrcp.f32 v3  }
0x5f: {  	(erf) = vpow2.f32 v2  }
0x60: {  	v25 =	vld [tilespmem:$0x440]  }
0x61: {  	v26 =	vld [tilespmem:$0x640];
	_ =	sdelay $0x4  }
0x62: {  	v3 =	vadd.f32 v26, v25  }
0x63: {  	v2 =	vpop (erf)  }
0x64: {  	v3 =	vsub.f32 $0.0e+00, v3;
	v4 =	vpop (erf)  }
0x65: {  	v4 =	vadd.f32 $1.000000000e+00, v4  }
0x66: {  	v3 =	vmul.f32 $1.442695020e+00, v3  }
0x67: {  	(erf) = vrcp.f32 v4  }
0x68: {  	(erf) = vpow2.f32 v3  }
0x69: {  	v27 =	vld [tilespmem:$0x450]  }
0x6a: {  	v28 =	vld [tilespmem:$0x650];
	_ =	sdelay $0x4  }
0x6b: {  	v4 =	vadd.f32 v28, v27  }
0x6c: {  	v3 =	vpop (erf)  }
0x6d: {  	v4 =	vsub.f32 $0.0e+00, v4;
	v5 =	vpop (erf)  }
0x6e: {  	v5 =	vadd.f32 $1.000000000e+00, v5  }
0x6f: {  	v4 =	vmul.f32 $1.442695020e+00, v4  }
0x70: {  	(erf) = vrcp.f32 v5  }
0x71: {  	(erf) = vpow2.f32 v4  }
0x72: {  	v29 =	vld [tilespmem:$0x460]  }
0x73: {  	v30 =	vld [tilespmem:$0x660];
	_ =	sdelay $0x4  }
0x74: {  	v5 =	vadd.f32 v30, v29  }
0x75: {  	v4 =	vpop (erf)  }
0x76: {  	v5 =	vsub.f32 $0.0e+00, v5;
	v6 =	vpop (erf)  }
0x77: {  	v6 =	vadd.f32 $1.000000000e+00, v6  }
0x78: {  	v5 =	vmul.f32 $1.442695020e+00, v5  }
0x79: {  	(erf) = vrcp.f32 v6  }
0x7a: {  	(erf) = vpow2.f32 v5  }
0x7b: {  	v31 =	vld [tilespmem:$0x470]  }
0x7c: {  	v32 =	vld [tilespmem:$0x670];
	_ =	sdelay $0x4  }
0x7d: {  	v6 =	vadd.f32 v32, v31  }
0x7e: {  	v5 =	vpop (erf)  }
0x7f: {  	v6 =	vsub.f32 $0.0e+00, v6;
	v7 =	vpop (erf)  }
0x80: {  	v7 =	vadd.f32 $1.000000000e+00, v7  }
0x81: {  	v6 =	vmul.f32 $1.442695020e+00, v6  }
0x82: {  	(erf) = vrcp.f32 v7  }
0x83: {  	(erf) = vpow2.f32 v6  }
0x84: {  	v33 =	vld [tilespmem:$0x480]  }
0x85: {  	v34 =	vld [tilespmem:$0x680];
	_ =	sdelay $0x4  }
0x86: {  	v7 =	vadd.f32 v34, v33  }
0x87: {  	v6 =	vpop (erf)  }
0x88: {  	v7 =	vsub.f32 $0.0e+00, v7;
	v8 =	vpop (erf)  }
0x89: {  	v8 =	vadd.f32 $1.000000000e+00, v8  }
0x8a: {  	v7 =	vmul.f32 $1.442695020e+00, v7  }
0x8b: {  	(erf) = vrcp.f32 v8  }
0x8c: {  	(erf) = vpow2.f32 v7  }
0x8d: {  	v35 =	vld [tilespmem:$0x490]  }
0x8e: {  	v36 =	vld [tilespmem:$0x690];
	_ =	sdelay $0x4  }
0x8f: {  	v8 =	vadd.f32 v36, v35  }
0x90: {  	v7 =	vpop (erf)  }
0x91: {  	v8 =	vsub.f32 $0.0e+00, v8;
	v9 =	vpop (erf)  }
0x92: {  	v9 =	vadd.f32 $1.000000000e+00, v9  }
0x93: {  	v8 =	vmul.f32 $1.442695020e+00, v8  }
0x94: {  	(erf) = vrcp.f32 v9  }
0x95: {  	(erf) = vpow2.f32 v8  }
0x96: {  	v37 =	vld [tilespmem:$0x4A0]  }
0x97: {  	v38 =	vld [tilespmem:$0x6A0];
	_ =	sdelay $0x4  }
0x98: {  	v9 =	vadd.f32 v38, v37  }
0x99: {  	v8 =	vpop (erf)  }
0x9a: {  	v9 =	vsub.f32 $0.0e+00, v9;
	v10 =	vpop (erf)  }
0x9b: {  	v10 =	vadd.f32 $1.000000000e+00, v10  }
0x9c: {  	v9 =	vmul.f32 $1.442695020e+00, v9  }
0x9d: {  	(erf) = vrcp.f32 v10  }
0x9e: {  	(erf) = vpow2.f32 v9  }
0x9f: {  	v39 =	vld [tilespmem:$0x4B0]  }
0xa0: {  	v40 =	vld [tilespmem:$0x6B0];
	_ =	sdelay $0x4  }
0xa1: {  	v10 =	vadd.f32 v40, v39  }
0xa2: {  	v9 =	vpop (erf)  }
0xa3: {  	v10 =	vsub.f32 $0.0e+00, v10;
	v11 =	vpop (erf)  }
0xa4: {  	v11 =	vadd.f32 $1.000000000e+00, v11  }
0xa5: {  	v10 =	vmul.f32 $1.442695020e+00, v10  }
0xa6: {  	(erf) = vrcp.f32 v11  }
0xa7: {  	(erf) = vpow2.f32 v10  }
0xa8: {  	v41 =	vld [tilespmem:$0x4C0]  }
0xa9: {  	v42 =	vld [tilespmem:$0x6C0];
	_ =	sdelay $0x4  }
0xaa: {  	v11 =	vadd.f32 v42, v41  }
0xab: {  	v10 =	vpop (erf)  }
0xac: {  	v11 =	vsub.f32 $0.0e+00, v11;
	v12 =	vpop (erf)  }
0xad: {  	v12 =	vadd.f32 $1.000000000e+00, v12  }
0xae: {  	v11 =	vmul.f32 $1.442695020e+00, v11  }
0xaf: {  	(erf) = vrcp.f32 v12  }
0xb0: {  	(erf) = vpow2.f32 v11  }
0xb1: {  	v43 =	vld [tilespmem:$0x4D0]  }
0xb2: {  	v44 =	vld [tilespmem:$0x6D0];
	_ =	sdelay $0x4  }
0xb3: {  	v12 =	vadd.f32 v44, v43  }
0xb4: {  	v11 =	vpop (erf)  }
0xb5: {  	v12 =	vsub.f32 $0.0e+00, v12;
	v13 =	vpop (erf)  }
0xb6: {  	v13 =	vadd.f32 $1.000000000e+00, v13  }
0xb7: {  	v12 =	vmul.f32 $1.442695020e+00, v12  }
0xb8: {  	(erf) = vrcp.f32 v13  }
0xb9: {  	(erf) = vpow2.f32 v12  }
0xba: {  	v45 =	vld [tilespmem:$0x4E0]  }
0xbb: {  	v46 =	vld [tilespmem:$0x6E0];
	_ =	sdelay $0x4  }
0xbc: {  	v13 =	vadd.f32 v46, v45  }
0xbd: {  	v12 =	vpop (erf)  }
0xbe: {  	v13 =	vsub.f32 $0.0e+00, v13;
	v14 =	vpop (erf)  }
0xbf: {  	v14 =	vadd.f32 $1.000000000e+00, v14  }
0xc0: {  	v13 =	vmul.f32 $1.442695020e+00, v13  }
0xc1: {  	(erf) = vrcp.f32 v14  }
0xc2: {  	(erf) = vpow2.f32 v13  }
0xc3: {  	v47 =	vld [tilespmem:$0x4F0]  }
0xc4: {  	v48 =	vld [tilespmem:$0x6F0];
	_ =	sdelay $0x4  }
0xc5: {  	v14 =	vadd.f32 v48, v47  }
0xc6: {  	v13 =	vpop (erf)  }
0xc7: {  	v14 =	vsub.f32 $0.0e+00, v14;
	v15 =	vpop (erf)  }
0xc8: {  	v15 =	vadd.f32 $1.000000000e+00, v15  }
0xc9: {  	v14 =	vmul.f32 $1.442695020e+00, v14  }
0xca: {  	(erf) = vrcp.f32 v15  }
0xcb: {  	(erf) = vpow2.f32 v14  }
0xcc: {  	v49 =	vld [tilespmem:$0x500]  }
0xcd: {  	v50 =	vld [tilespmem:$0x700];
	_ =	sdelay $0x4  }
0xce: {  	v15 =	vadd.f32 v50, v49  }
0xcf: {  	v14 =	vpop (erf)  }
0xd0: {  	v15 =	vsub.f32 $0.0e+00, v15;
	v16 =	vpop (erf)  }
0xd1: {  	v16 =	vadd.f32 $1.000000000e+00, v16  }
0xd2: {  	v15 =	vmul.f32 $1.442695020e+00, v15  }
0xd3: {  	(erf) = vrcp.f32 v16  }
0xd4: {  	(erf) = vpow2.f32 v15  }
0xd5: {  	v51 =	vld [tilespmem:$0x510]  }
0xd6: {  	v52 =	vld [tilespmem:$0x710];
	_ =	sdelay $0x4  }
0xd7: {  	v16 =	vadd.f32 v52, v51  }
0xd8: {  	v15 =	vpop (erf)  }
0xd9: {  	v16 =	vsub.f32 $0.0e+00, v16;
	v17 =	vpop (erf)  }
0xda: {  	v17 =	vadd.f32 $1.000000000e+00, v17  }
0xdb: {  	v16 =	vmul.f32 $1.442695020e+00, v16  }
0xdc: {  	(erf) = vrcp.f32 v17  }
0xdd: {  	(erf) = vpow2.f32 v16  }
0xde: {  	v53 =	vld [tilespmem:$0x520]  }
0xdf: {  	v54 =	vld [tilespmem:$0x720];
	_ =	sdelay $0x4  }
0xe0: {  	v17 =	vadd.f32 v54, v53  }
0xe1: {  	v16 =	vpop (erf)  }
0xe2: {  	v17 =	vsub.f32 $0.0e+00, v17;
	v18 =	vpop (erf)  }
0xe3: {  	v18 =	vadd.f32 $1.000000000e+00, v18  }
0xe4: {  	v17 =	vmul.f32 $1.442695020e+00, v17  }
0xe5: {  	(erf) = vrcp.f32 v18  }
0xe6: {  	(erf) = vpow2.f32 v17  }
0xe7: {  	v55 =	vld [tilespmem:$0x530]  }
0xe8: {  	v56 =	vld [tilespmem:$0x730];
	_ =	sdelay $0x4  }
0xe9: {  	v18 =	vadd.f32 v56, v55  }
0xea: {  	v17 =	vpop (erf)  }
0xeb: {  	v18 =	vsub.f32 $0.0e+00, v18;
	v19 =	vpop (erf)  }
0xec: {  	v19 =	vadd.f32 $1.000000000e+00, v19  }
0xed: {  	v18 =	vmul.f32 $1.442695020e+00, v18  }
0xee: {  	(erf) = vrcp.f32 v19  }
0xef: {  	(erf) = vpow2.f32 v18  }
0xf0: {  	v57 =	vld [tilespmem:$0x540]  }
0xf1: {  	v58 =	vld [tilespmem:$0x740];
	_ =	sdelay $0x4  }
0xf2: {  	v19 =	vadd.f32 v58, v57  }
0xf3: {  	v18 =	vpop (erf)  }
0xf4: {  	v19 =	vsub.f32 $0.0e+00, v19;
	v20 =	vpop (erf)  }
0xf5: {  	v20 =	vadd.f32 $1.000000000e+00, v20  }
0xf6: {  	v19 =	vmul.f32 $1.442695020e+00, v19  }
0xf7: {  	(erf) = vrcp.f32 v20  }
0xf8: {  	(erf) = vpow2.f32 v19  }
0xf9: {  	v59 =	vld [tilespmem:$0x550]  }
0xfa: {  	v60 =	vld [tilespmem:$0x750];
	_ =	sdelay $0x4  }
0xfb: {  	v19 =	vadd.f32 v60, v59  }
0xfc: {  	v20 =	vpop (erf)  }
0xfd: {  	v19 =	vsub.f32 $0.0e+00, v19;
	v21 =	vpop (erf)  }
0xfe: {  	v21 =	vadd.f32 $1.000000000e+00, v21  }
0xff: {  	v19 =	vmul.f32 $1.442695020e+00, v19  }
0x100: {  	(erf) = vrcp.f32 v21  }
0x101: {  	(erf) = vpow2.f32 v19  }
0x102: {  	v61 =	vld [tilespmem:$0x560]  }
0x103: {  	v62 =	vld [tilespmem:$0x760];
	_ =	sdelay $0x4  }
0x104: {  	v19 =	vadd.f32 v62, v61  }
0x105: {  	v63 =	vpop (erf)  }
0x106: {  	v19 =	vsub.f32 $0.0e+00, v19;
	v22 =	vpop (erf)  }
0x107: {  	v22 =	vadd.f32 $1.000000000e+00, v22  }
0x108: {  	v19 =	vmul.f32 $1.442695020e+00, v19  }
0x109: {  	(erf) = vrcp.f32 v22  }
0x10a: {  	(erf) = vpow2.f32 v19  }
0x10b: {  	v32 =	vld [tilespmem:$0x570]  }
0x10c: {  	v33 =	vld [tilespmem:$0x770];
	_ =	sdelay $0x4  }
0x10d: {  	v19 =	vadd.f32 v33, v32  }
0x10e: {  	v34 =	vpop (erf)  }
0x10f: {  	v19 =	vsub.f32 $0.0e+00, v19;
	v23 =	vpop (erf)  }
0x110: {  	v23 =	vadd.f32 $1.000000000e+00, v23  }
0x111: {  	v19 =	vmul.f32 $1.442695020e+00, v19  }
0x112: {  	(erf) = vrcp.f32 v23  }
0x113: {  	(erf) = vpow2.f32 v19  }
0x114: {  	v35 =	vld [tilespmem:$0x580]  }
0x115: {  	v36 =	vld [tilespmem:$0x780];
	_ =	sdelay $0x4  }
0x116: {  	v19 =	vadd.f32 v36, v35  }
0x117: {  	v37 =	vpop (erf)  }
0x118: {  	v19 =	vsub.f32 $0.0e+00, v19;
	v24 =	vpop (erf)  }
0x119: {  	v24 =	vadd.f32 $1.000000000e+00, v24  }
0x11a: {  	v19 =	vmul.f32 $1.442695020e+00, v19  }
0x11b: {  	(erf) = vrcp.f32 v24  }
0x11c: {  	(erf) = vpow2.f32 v19  }
0x11d: {  	v38 =	vld [tilespmem:$0x590]  }
0x11e: {  	v39 =	vld [tilespmem:$0x790];
	_ =	sdelay $0x4  }
0x11f: {  	v19 =	vadd.f32 v39, v38  }
0x120: {  	v40 =	vpop (erf)  }
0x121: {  	v19 =	vsub.f32 $0.0e+00, v19;
	v25 =	vpop (erf)  }
0x122: {  	v25 =	vadd.f32 $1.000000000e+00, v25  }
0x123: {  	v19 =	vmul.f32 $1.442695020e+00, v19  }
0x124: {  	(erf) = vrcp.f32 v25  }
0x125: {  	(erf) = vpow2.f32 v19  }
0x126: {  	v41 =	vld [tilespmem:$0x5A0]  }
0x127: {  	v42 =	vld [tilespmem:$0x7A0];
	_ =	sdelay $0x4  }
0x128: {  	v19 =	vadd.f32 v42, v41  }
0x129: {  	v43 =	vpop (erf)  }
0x12a: {  	v19 =	vsub.f32 $0.0e+00, v19;
	v26 =	vpop (erf)  }
0x12b: {  	v26 =	vadd.f32 $1.000000000e+00, v26  }
0x12c: {  	v19 =	vmul.f32 $1.442695020e+00, v19  }
0x12d: {  	(erf) = vrcp.f32 v26  }
0x12e: {  	(erf) = vpow2.f32 v19  }
0x12f: {  	v44 =	vld [tilespmem:$0x5B0]  }
0x130: {  	v45 =	vld [tilespmem:$0x7B0];
	_ =	sdelay $0x4  }
0x131: {  	v19 =	vadd.f32 v45, v44  }
0x132: {  	v46 =	vpop (erf)  }
0x133: {  	v19 =	vsub.f32 $0.0e+00, v19;
	v27 =	vpop (erf)  }
0x134: {  	v27 =	vadd.f32 $1.000000000e+00, v27  }
0x135: {  	v19 =	vmul.f32 $1.442695020e+00, v19  }
0x136: {  	(erf) = vrcp.f32 v27  }
0x137: {  	(erf) = vpow2.f32 v19  }
0x138: {  	v47 =	vld [tilespmem:$0x5C0]  }
0x139: {  	v48 =	vld [tilespmem:$0x7C0];
	_ =	sdelay $0x4  }
0x13a: {  	v19 =	vadd.f32 v48, v47  }
0x13b: {  	v49 =	vpop (erf)  }
0x13c: {  	v19 =	vsub.f32 $0.0e+00, v19;
	v28 =	vpop (erf)  }
0x13d: {  	v28 =	vadd.f32 $1.000000000e+00, v28  }
0x13e: {  	v19 =	vmul.f32 $1.442695020e+00, v19  }
0x13f: {  	(erf) = vrcp.f32 v28  }
0x140: {  	(erf) = vpow2.f32 v19  }
0x141: {  	v50 =	vld [tilespmem:$0x5D0]  }
0x142: {  	v51 =	vld [tilespmem:$0x7D0];
	_ =	sdelay $0x4  }
0x143: {  	v19 =	vadd.f32 v51, v50  }
0x144: {  	v52 =	vpop (erf)  }
0x145: {  	v19 =	vsub.f32 $0.0e+00, v19;
	v29 =	vpop (erf)  }
0x146: {  	v29 =	vadd.f32 $1.000000000e+00, v29  }
0x147: {  	v19 =	vmul.f32 $1.442695020e+00, v19  }
0x148: {  	(erf) = vrcp.f32 v29  }
0x149: {  	(erf) = vpow2.f32 v19  }
0x14a: {  	v53 =	vld [tilespmem:$0x5E0]  }
0x14b: {  	v54 =	vld [tilespmem:$0x7E0];
	_ =	sdelay $0x4  }
0x14c: {  	v19 =	vadd.f32 v54, v53  }
0x14d: {  	v55 =	vpop (erf)  }
0x14e: {  	v19 =	vsub.f32 $0.0e+00, v19;
	v30 =	vpop (erf)  }
0x14f: {  	v30 =	vadd.f32 $1.000000000e+00, v30  }
0x150: {  	v19 =	vmul.f32 $1.442695020e+00, v19  }
0x151: {  	(erf) = vrcp.f32 v30  }
0x152: {  	(erf) = vpow2.f32 v19  }
0x153: {  	v56 =	vld [tilespmem:$0x5F0]  }
0x154: {  	v57 =	vld [tilespmem:$0x7F0];
	_ =	sdelay $0x1  }
0x155: {  	[tilespmem:$0x400] =	vst v0  }
0x156: {  	[tilespmem:$0x410] =	vst v1  }
0x157: {  	[tilespmem:$0x420] =	vst v2  }
0x158: {  	[tilespmem:$0x430] =	vst v3;
	v58 =	vadd.f32 v57, v56  }
0x159: {  	[tilespmem:$0x440] =	vst v4;
	v59 =	vpop (erf)  }
0x15a: {  	[tilespmem:$0x450] =	vst v5;
	v0 =	vsub.f32 $0.0e+00, v58;
	v60 =	vpop (erf)  }
0x15b: {  	[tilespmem:$0x460] =	vst v6;
	v2 =	vadd.f32 $1.000000000e+00, v60  }
0x15c: {  	[tilespmem:$0x470] =	vst v7;
	v0 =	vmul.f32 $1.442695020e+00, v0  }
0x15d: {  	[tilespmem:$0x480] =	vst v8;
	(erf) = vrcp.f32 v2  }
0x15e: {  	[tilespmem:$0x490] =	vst v9;
	(erf) = vpow2.f32 v0  }
0x15f: {  	[tilespmem:$0x4A0] =	vst v10  }
0x160: {  	[tilespmem:$0x4B0] =	vst v11  }
0x161: {  	[tilespmem:$0x4C0] =	vst v12  }
0x162: {  	[tilespmem:$0x4D0] =	vst v13  }
0x163: {  	[tilespmem:$0x4E0] =	vst v14  }
0x164: {  	[tilespmem:$0x4F0] =	vst v15  }
0x165: {  	[tilespmem:$0x500] =	vst v16  }
0x166: {  	[tilespmem:$0x510] =	vst v17;
	v61 =	vpop (erf)  }
0x167: {  	[tilespmem:$0x520] =	vst v18;
	v62 =	vpop (erf)  }
0x168: {  	[tilespmem:$0x530] =	vst v20;
	v2 =	vadd.f32 $1.000000000e+00, v62  }
0x169: {  	[tilespmem:$0x540] =	vst v63  }
0x16a: {  	[tilespmem:$0x550] =	vst v34;
	(erf) = vrcp.f32 v2  }
0x16b: {  	[tilespmem:$0x560] =	vst v37  }
0x16c: {  	[tilespmem:$0x570] =	vst v40  }
0x16d: {  	[tilespmem:$0x580] =	vst v43  }
0x16e: {  	[tilespmem:$0x590] =	vst v46  }
0x16f: {  	[tilespmem:$0x5A0] =	vst v49  }
0x170: {  	[tilespmem:$0x5B0] =	vst v52  }
0x171: {  	[tilespmem:$0x5C0] =	vst v55  }
0x172: {  	[tilespmem:$0x5D0] =	vst v59  }
0x173: {  	p0 =	sne.s32 s8, $0x1;
	[tilespmem:$0x5E0] =	vst v61;
	v63 =	vpop (erf)  }
.Ltmp0:
0x174: {  	[tilespmem:$0x5F0] =	vst v63;
	(pc) =	sbr.rel @p0 .LBB2_1-.Ltmp0, $4  }
0x175: {  	[hbm4b:s7+s1] =	stream.linear.scatter [tilespmem:s12], [sflag:$0x2], $0x200, $0x38;
	[tilespmem:$0x800] =	vst v63  }
0x176: {  	_ =	swait.ge [sflag:s9], $0x200  }
0x177: {  	[sflag:s9] =	ssyncset.done $0x0  }
0x178: {  	s8 =	sadd.s32 $0xFFFFFFFF, s8;
	[sflag:s9] =	ssyncadd.s32 $0xFFFFFE00  }
0x179: {  	_ =	sfence.sel $0x180000  }
0x17a: {  	[bflag:$0x0] =	sbarrier.arrive $0xFFFF  }
0x17b: {  	p0 =	sne.s32 s2, $0x0;
	_ =	strace $0x90000047  }
0x17c: {  	s0 =	sadd.s32 @!p0 $0x100000, s0;
	[bflag:$0x2] =	sbarrier.arrive $0xFFFF  }
0x17d: {  	[sflag:s0] =	ssyncadd.tile.s32 @!p0 $0x1;
	_ =	shalt  }
.Lfunc_end2:
_tile_overlayer_lowered:
.L_overlay_start_2:
0x17e: {  	(tag) =	ssettag $0x2  }
0x17f: {  	s0 =	rddreg [dreg:$0x0];
	s2 =	stileid.u32  }
0x180: {  	s1 =	rddreg [dreg:$0x1];
	p0 =	sne.s32 s2, $0x0  }
0x181: {  	s3 =	rddreg [dreg:$0x2];
	[bflag:$0x3] =	sbarrier.arrive $0xFFFF;
	s2 =	simm.s32 @!p0 $0x1C02  }
0x182: {  	[timem:s3], [sflag:s2] =	dma.local @!p0 [hbm:s0], s1  }
0x183: {  	s0 =	simm.s32 @!p0 $0x2  }
0x184: {  	_ =	swait.ge @!p0 [sflag:s0], s1  }
0x185: {  	s1 =	ssub.s32 @!p0 $0x0, s1;
	[sflag:s0] =	ssyncset.done @!p0 $0x0  }
0x186: {  	[sflag:s0] =	ssyncadd.s32 @!p0 s1  }
0x187: {  	[bflag:$0x3] =	sbarrier.arrive $0xFFFF  }
0x188: {  	_ =	shalt  }

</sc_bundles>
